<compile_context>
chip_gen: v7x
topology: tpu7x:2x2x1
jax: 0.10.2.dev20260603
libtpu: 0.0.44.dev20260713+nightly
codegen_flags: <defaults>
</compile_context>

<pallas_src>
import jax
import jax.numpy as jnp
from jax import lax
from jax.experimental import pallas as pl
from jax.experimental.pallas import tpu as pltpu
from jax.experimental.pallas import tpu_sc as plsc

GRID = 32
K3 = GRID * GRID * GRID
N_PTS = 320000
C_FULL = 128
CH = 32
NC, NS = 2, 16
SUB = 128
NROWS = N_PTS // SUB
NB = 7
D = 2
ROWS_PER_TILE = K3 // NS


def _pidx_body(pt_ref, o_ref):
    x = pt_ref[0, :]
    y = pt_ref[1, :]
    z = pt_ref[2, :]
    ix = ((x + 1.0) * 16.0).astype(jnp.int32)
    iy = ((y + 1.0) * 16.0).astype(jnp.int32)
    iz = ((z + 1.0) * 16.0).astype(jnp.int32)
    pidx = ix * 1024 + iy * 32 + iz
    o_ref[...] = pidx.reshape(o_ref.shape)


def _pidx(points_t):
    return pl.pallas_call(
        _pidx_body,
        out_shape=jax.ShapeDtypeStruct((NROWS, SUB), jnp.int32),
    )(points_t)


def _sc_body(pf_ref, pidx_ref, za_ref,
             sums_ref, hist_out_ref,
             idx_v, hist_v, rows_v, sums_sh, gsem, ssem, psem):
    c = lax.axis_index("c")
    s = lax.axis_index("s")
    is_c0 = c == 0
    r0 = s * ROWS_PER_TILE
    rlo = s * NROWS // NS
    nsub = (s + 1) * NROWS // NS - rlo

    zero_f = jnp.zeros((16,), jnp.float32)
    ones_f = jnp.ones((16,), jnp.float32)

    @pl.when(is_c0)
    def _():
        def hz(k, carry):
            for u in range(4):
                hist_v[pl.ds(k * 64 + u * 16, 16)] = zero_f
            return carry

        lax.fori_loop(0, K3 // 64, hz, 0)

    def slot(j):
        return j % NB

    def i_src(j):
        return pidx_ref.at[rlo + j]

    def i_dst(j):
        return idx_v.at[slot(j)]

    def g_src(ch0, j):
        return pf_ref.at[pl.ds((rlo + j) * SUB, SUB), pl.ds(ch0, CH)]

    def g_dst(j):
        return rows_v.at[pl.ds(slot(j) * SUB, SUB)]

    def s_dst(j):
        return sums_sh.at[idx_v.at[slot(j)]]

    def stage_in(ch0, j):
        pltpu.async_copy(i_src(j), i_dst(j), psem)
        pltpu.async_copy(g_src(ch0, j), g_dst(j), gsem)

    def issue_scatter(j):
        pltpu.async_copy(g_dst(j), s_dst(j), ssem, add=True)

    def drain_one_scatter():
        pltpu.make_async_copy(g_dst(0), s_dst(0), ssem).wait()

    def one_pass(p, carry):
        ch0 = c * 64 + p * CH
        pltpu.sync_copy(za_ref, sums_sh.at[pl.ds(r0, ROWS_PER_TILE)])
        plsc.subcore_barrier()

        def prime(i, carry):
            stage_in(ch0, i)
            return carry

        lax.fori_loop(0, NB, prime, 0)

        def step(j, carry):
            @pl.when(j < nsub)
            def _():
                pltpu.make_async_copy(i_src(j), i_dst(j), psem).wait()
                sl = slot(j)

                @pl.when(p == 0)
                def _():
                    for u in range(SUB // 16):
                        pidx = idx_v[sl, pl.ds(u * 16, 16)]
                        plsc.addupdate_scatter(hist_v, [pidx], ones_f)

                pltpu.make_async_copy(g_src(ch0, j), g_dst(j), gsem).wait()
                issue_scatter(j)

            @pl.when(j >= D)
            def _():
                drain_one_scatter()

                @pl.when(j - D + NB < nsub)
                def _():
                    stage_in(ch0, j - D + NB)
            return carry

        lax.fori_loop(0, nsub + D, step, 0)

        plsc.subcore_barrier()

        pltpu.sync_copy(sums_sh.at[pl.ds(r0, ROWS_PER_TILE)],
                        sums_ref.at[pl.ds(r0, ROWS_PER_TILE), pl.ds(ch0, CH)])
        return carry

    lax.fori_loop(0, 2, one_pass, 0)

    @pl.when(is_c0)
    def _():
        pltpu.sync_copy(hist_v, hist_out_ref.at[s])


def _sc_scatter(point_feat, pidx):
    za = jnp.zeros((ROWS_PER_TILE, CH), jnp.float32)
    f32 = jnp.float32
    run = pl.kernel(
        _sc_body,
        out_type=(
            jax.ShapeDtypeStruct((K3, C_FULL), f32),
            jax.ShapeDtypeStruct((NS, K3), f32),
        ),
        mesh=plsc.VectorSubcoreMesh(core_axis_name="c", subcore_axis_name="s"),
        scratch_types=[
            pltpu.VMEM((NB, SUB), jnp.int32),
            pltpu.VMEM((K3,), f32),
            pltpu.VMEM((NB * SUB, CH), f32),
            pltpu.VMEM_SHARED((K3, CH), f32),
            pltpu.SemaphoreType.DMA,
            pltpu.SemaphoreType.DMA,
            pltpu.SemaphoreType.DMA,
        ],
        compiler_params=pltpu.CompilerParams(
            use_tc_tiling_on_sc=False, needs_layout_passes=False),
    )
    return run(point_feat, pidx, za)


def _div_body(s_ref, h_ref, o_ref):
    counts = jnp.sum(h_ref[...], axis=0)
    inv = 1.0 / jnp.maximum(counts, 1.0)
    o_ref[...] = s_ref[...] * inv[:, None]


def _divide(sums, hists):
    blk = 8192
    return pl.pallas_call(
        _div_body,
        grid=(K3 // blk,),
        in_specs=[pl.BlockSpec((blk, C_FULL), lambda i: (i, 0)),
                  pl.BlockSpec((NS, blk), lambda i: (0, i))],
        out_specs=pl.BlockSpec((blk, C_FULL), lambda i: (i, 0)),
        out_shape=jax.ShapeDtypeStruct((K3, C_FULL), jnp.float32),
    )(sums, hists)


def kernel(point_feat, points):
    pidx = _pidx(points.T)
    sums, hists = _sc_scatter(point_feat, pidx)
    out = _divide(sums, hists)
    return out.reshape(GRID, GRID, GRID, C_FULL)

# --- scband reference (transcript-rebuilt; emitter-appended) ---
"""Pipeline reference for scband-avg-pooling-module-59322088292454 (READ-ONLY COPY).

The authoritative reference and input builder live on the scoring server;
editing this copy changes nothing except your own understanding.
"""

import jax, jax.numpy as jnp
import numpy as np

GRID_SIZE = 32


def setup_inputs(seed: int = 0) -> dict:
    key = jax.random.key(seed)
    k1, k2 = jax.random.split(key)
    N, C = 320000, 128
    point_feat = jax.random.normal(k1, (N, C), dtype=jnp.float32)
    # points must lie in [-1, 1)^3; uniform fill scaled to that range
    points = jax.random.uniform(k2, (N, 3), dtype=jnp.float32) * 2.0 - 1.0
    return {"point_feat": point_feat, "points": points}


def reference(point_feat, points):
    k = GRID_SIZE
    C = point_feat.shape[1]
    # ks = [k**2, k, 1] as in the torch module __init__
    ks = jnp.array([k * k, k, 1], dtype=jnp.int32)
    # scale points from [-1,1) to [0,k)
    p = (points + 1.0) * (k / 2.0)
    pidx = jnp.floor(p).astype(jnp.int32) @ ks  # (N,) flat voxel index in [0, k^3)
    num_cells = k ** 3
    counts = jnp.bincount(pidx, length=num_cells)  # (k^3,)
    sums = jax.ops.segment_sum(point_feat, pidx, num_segments=num_cells)  # (k^3, C)
    denom = jnp.maximum(counts, 1).astype(point_feat.dtype)[:, None]
    out_feat = jnp.where(counts[:, None] > 0, sums / denom, jnp.zeros_like(sums))
    return out_feat.reshape((k, k, k, C))

if __name__ == "__main__":
    import jax
    _d = setup_inputs()
    print(jax.jit(kernel)(*tuple(_d.values())))

</pallas_src>

<mosaic_0001>
#map = affine_map<(d0, d1) -> (0, 0)>
module attributes {stable_mosaic.version = 14 : i64} {
  func.func @_sc_body(%arg0: i32, %arg1: i32, %arg2: memref<320000x128xf32, #tpu.memory_space<hbm>>, %arg3: memref<2500x128xi32, #tpu.memory_space<hbm>>, %arg4: memref<2048x32xf32, #tpu.memory_space<hbm>>, %arg5: memref<32768x128xf32, #tpu.memory_space<hbm>>, %arg6: memref<16x32768xf32, #tpu.memory_space<hbm>>, %arg7: memref<7x128xi32, #tpu.memory_space<vmem>>, %arg8: memref<32768xf32, #tpu.memory_space<vmem>>, %arg9: memref<896x32xf32, #tpu.memory_space<vmem>>, %arg10: memref<32768x32xf32, #tpu.memory_space<vmem_shared>>, %arg11: memref<!tpu.dma_semaphore, #tpu.memory_space<semaphore_mem>>, %arg12: memref<!tpu.dma_semaphore, #tpu.memory_space<semaphore_mem>>, %arg13: memref<!tpu.dma_semaphore, #tpu.memory_space<semaphore_mem>>) attributes {dimension_semantics = [#tpu.dimension_semantics<core_parallel>, #tpu.dimension_semantics<subcore_parallel>], iteration_bounds = array<i64: 2, 16>, scalar_prefetch = 0 : i64, scratch_operands = 7 : i64, tpu.core_type = #tpu.core_type<sc_vector_subcore>, window_params = [{transform_indices = #map}, {transform_indices = #map}, {transform_indices = #map}, {transform_indices = #map}, {transform_indices = #map}]} {
    %eq3A = arith.constant 0 : i32
    %eq3A_0 = arith.cmpi eq, %arg0, %eq3A : i32
    %mul3A = arith.constant 2048 : i32
    %mul3A_1 = arith.muli %arg1, %mul3A : i32
    %mul3A_2 = arith.constant 2500 : i32
    %mul3A_3 = arith.muli %arg1, %mul3A_2 : i32
    %jit3A = arith.constant 16 : i32
    %div3A = arith.divsi %mul3A_3, %jit3A : i32
    %sign3A = arith.constant 0 : i32
    %sign3A_4 = arith.cmpi sgt, %mul3A_3, %sign3A : i32
    %sign3A_5 = arith.extui %sign3A_4 : i1 to i32
    %sign3A_6 = arith.constant 0 : i32
    %sign3A_7 = arith.cmpi slt, %mul3A_3, %sign3A_6 : i32
    %sign3A_8 = arith.extui %sign3A_7 : i1 to i32
    %sign3A_9 = arith.subi %sign3A_5, %sign3A_8 : i32
    %sign3A_10 = arith.constant 0 : i32
    %sign3A_11 = arith.cmpi sgt, %jit3A, %sign3A_10 : i32
    %sign3A_12 = arith.extui %sign3A_11 : i1 to i32
    %sign3A_13 = arith.constant 0 : i32
    %sign3A_14 = arith.cmpi slt, %jit3A, %sign3A_13 : i32
    %sign3A_15 = arith.extui %sign3A_14 : i1 to i32
    %sign3A_16 = arith.subi %sign3A_12, %sign3A_15 : i32
    %ne3A = arith.cmpi ne, %sign3A_9, %sign3A_16 : i32
    %rem3A = arith.remsi %mul3A_3, %jit3A : i32
    %ne3A_17 = arith.constant 0 : i32
    %ne3A_18 = arith.cmpi ne, %rem3A, %ne3A_17 : i32
    %and3A = arith.andi %ne3A, %ne3A_18 : i1
    %sub3A = arith.constant 1 : i32
    %sub3A_19 = arith.subi %div3A, %sub3A : i32
    %select_n3A = arith.select %and3A, %sub3A_19, %div3A : i32
    %add3A = arith.constant 1 : i32
    %add3A_20 = arith.addi %arg1, %add3A : i32
    %mul3A_21 = arith.constant 2500 : i32
    %mul3A_22 = arith.muli %add3A_20, %mul3A_21 : i32
    %jit3A_23 = arith.constant 16 : i32
    %div3A_24 = arith.divsi %mul3A_22, %jit3A_23 : i32
    %sign3A_25 = arith.constant 0 : i32
    %sign3A_26 = arith.cmpi sgt, %mul3A_22, %sign3A_25 : i32
    %sign3A_27 = arith.extui %sign3A_26 : i1 to i32
    %sign3A_28 = arith.constant 0 : i32
    %sign3A_29 = arith.cmpi slt, %mul3A_22, %sign3A_28 : i32
    %sign3A_30 = arith.extui %sign3A_29 : i1 to i32
    %sign3A_31 = arith.subi %sign3A_27, %sign3A_30 : i32
    %sign3A_32 = arith.constant 0 : i32
    %sign3A_33 = arith.cmpi sgt, %jit3A_23, %sign3A_32 : i32
    %sign3A_34 = arith.extui %sign3A_33 : i1 to i32
    %sign3A_35 = arith.constant 0 : i32
    %sign3A_36 = arith.cmpi slt, %jit3A_23, %sign3A_35 : i32
    %sign3A_37 = arith.extui %sign3A_36 : i1 to i32
    %sign3A_38 = arith.subi %sign3A_34, %sign3A_37 : i32
    %ne3A_39 = arith.cmpi ne, %sign3A_31, %sign3A_38 : i32
    %rem3A_40 = arith.remsi %mul3A_22, %jit3A_23 : i32
    %ne3A_41 = arith.constant 0 : i32
    %ne3A_42 = arith.cmpi ne, %rem3A_40, %ne3A_41 : i32
    %and3A_43 = arith.andi %ne3A_39, %ne3A_42 : i1
    %sub3A_44 = arith.constant 1 : i32
    %sub3A_45 = arith.subi %div3A_24, %sub3A_44 : i32
    %select_n3A_46 = arith.select %and3A_43, %sub3A_45, %div3A_24 : i32
    %sub3A_47 = arith.subi %select_n3A_46, %select_n3A : i32
    %broadcast_in_dim3A = arith.constant 0.000000e+00 : f32
    %broadcast_in_dim3A_48 = vector.broadcast %broadcast_in_dim3A : f32 to vector<16xf32>
    %broadcast_in_dim3A_49 = arith.constant 1.000000e+00 : f32
    %broadcast_in_dim3A_50 = vector.broadcast %broadcast_in_dim3A_49 : f32 to vector<16xf32>
    %convert_element_type3A = arith.extui %eq3A_0 : i1 to i32
    %cond3A = arith.constant 0 : i32
    %cond3A_51 = arith.cmpi ne, %convert_element_type3A, %cond3A : i32
    scf.if %cond3A_51 {
      %scan3A_60 = arith.constant 0 : i32
      %scan3A_61 = arith.constant 0 : i32
      %scan3A_62 = arith.constant 512 : i32
      %scan3A_63 = arith.addi %scan3A_61, %scan3A_62 : i32
      %scan3A_64 = arith.constant 1 : i32
      scf.for %scan3A_66 = %scan3A_61 to %scan3A_63 step %scan3A_64  : i32 {
        %mul3A_67 = arith.constant 64 : i32
        %mul3A_68 = arith.muli %scan3A_66, %mul3A_67 : i32
        %add3A_69 = arith.constant 0 : i32
        %add3A_70 = arith.addi %mul3A_68, %add3A_69 : i32
        %swap3A = arith.index_cast %add3A_70 : i32 to index
        %swap3A_71 = tpu.vector_load %arg8[%swap3A] {strides = array<i32>} : memref<32768xf32, #tpu.memory_space<vmem>>, vector<16xf32>,
        tpu.vector_store %arg8[%swap3A], %broadcast_in_dim3A_48 {strides = array<i32>} : memref<32768xf32, #tpu.memory_space<vmem>>, vector<16xf32>,
        %mul3A_72 = arith.constant 64 : i32
        %mul3A_73 = arith.muli %scan3A_66, %mul3A_72 : i32
        %add3A_74 = arith.constant 16 : i32
        %add3A_75 = arith.addi %mul3A_73, %add3A_74 : i32
        %swap3A_76 = arith.index_cast %add3A_75 : i32 to index
        %swap3A_77 = tpu.vector_load %arg8[%swap3A_76] {strides = array<i32>} : memref<32768xf32, #tpu.memory_space<vmem>>, vector<16xf32>,
        tpu.vector_store %arg8[%swap3A_76], %broadcast_in_dim3A_48 {strides = array<i32>} : memref<32768xf32, #tpu.memory_space<vmem>>, vector<16xf32>,
        %mul3A_78 = arith.constant 64 : i32
        %mul3A_79 = arith.muli %scan3A_66, %mul3A_78 : i32
        %add3A_80 = arith.constant 32 : i32
        %add3A_81 = arith.addi %mul3A_79, %add3A_80 : i32
        %swap3A_82 = arith.index_cast %add3A_81 : i32 to index
        %swap3A_83 = tpu.vector_load %arg8[%swap3A_82] {strides = array<i32>} : memref<32768xf32, #tpu.memory_space<vmem>>, vector<16xf32>,
        tpu.vector_store %arg8[%swap3A_82], %broadcast_in_dim3A_48 {strides = array<i32>} : memref<32768xf32, #tpu.memory_space<vmem>>, vector<16xf32>,
        %mul3A_84 = arith.constant 64 : i32
        %mul3A_85 = arith.muli %scan3A_66, %mul3A_84 : i32
        %add3A_86 = arith.constant 48 : i32
        %add3A_87 = arith.addi %mul3A_85, %add3A_86 : i32
        %swap3A_88 = arith.index_cast %add3A_87 : i32 to index
        %swap3A_89 = tpu.vector_load %arg8[%swap3A_88] {strides = array<i32>} : memref<32768xf32, #tpu.memory_space<vmem>>, vector<16xf32>,
        tpu.vector_store %arg8[%swap3A_88], %broadcast_in_dim3A_48 {strides = array<i32>} : memref<32768xf32, #tpu.memory_space<vmem>>, vector<16xf32>,
      }
      %scan3A_65 = arith.constant 512 : i32
    } else {
    }
    %scan3A = arith.constant 0 : i32
    %scan3A_52 = arith.constant 0 : i32
    %scan3A_53 = arith.constant 2 : i32
    %scan3A_54 = arith.addi %scan3A_52, %scan3A_53 : i32
    %scan3A_55 = arith.constant 1 : i32
    scf.for %scan3A_60 = %scan3A_52 to %scan3A_54 step %scan3A_55  : i32 {
      %mul3A_61 = arith.constant 64 : i32
      %mul3A_62 = arith.muli %arg0, %mul3A_61 : i32
      %mul3A_63 = arith.constant 32 : i32
      %mul3A_64 = arith.muli %scan3A_60, %mul3A_63 : i32
      %add3A_65 = arith.addi %mul3A_62, %mul3A_64 : i32
      "tpu.region"() ({
        %run_scoped3A = tpu.sem_alloc : memref<!tpu.dma_semaphore, #tpu.memory_space<semaphore_mem>>
        %dma_start3A = arith.constant 0 : i32
        %dma_start3A_84 = tpu.memref_slice %arg10[%mul3A_1, %dma_start3A] : memref<32768x32xf32, #tpu.memory_space<vmem_shared>> -> memref<2048x32xf32, #tpu.memory_space<vmem_shared>>
        tpu.enqueue_dma source(%arg4 : memref<2048x32xf32, #tpu.memory_space<hbm>>) target(%dma_start3A_84 : memref<2048x32xf32, #tpu.memory_space<vmem_shared>>) target_semaphore(%run_scoped3A : memref<!tpu.dma_semaphore, #tpu.memory_space<semaphore_mem>>)
        %dma_wait3A = arith.constant 0 : i32
        %dma_wait3A_85 = tpu.memref_slice %arg10[%mul3A_1, %dma_wait3A] : memref<32768x32xf32, #tpu.memory_space<vmem_shared>> -> memref<2048x32xf32, #tpu.memory_space<vmem_shared>>
        tpu.wait_dma2 semaphore(%run_scoped3A : memref<!tpu.dma_semaphore, #tpu.memory_space<semaphore_mem>>) src(%arg4 : memref<2048x32xf32, #tpu.memory_space<hbm>>) dst(%dma_wait3A_85 : memref<2048x32xf32, #tpu.memory_space<vmem_shared>>)
        tpu.yield
      }) : () -> ()
      %barrier3A = arith.constant 0 : index
      tpu.barrier barrier_id(%barrier3A)
      %scan3A_66 = arith.constant 0 : i32
      %scan3A_67 = arith.constant 0 : i32
      %scan3A_68 = arith.constant 7 : i32
      %scan3A_69 = arith.addi %scan3A_67, %scan3A_68 : i32
      %scan3A_70 = arith.constant 1 : i32
      scf.for %scan3A_84 = %scan3A_67 to %scan3A_69 step %scan3A_70  : i32 {
        %add3A_85 = arith.addi %select_n3A, %scan3A_84 : i32
        %jit3A_86 = arith.constant 7 : i32
        %eq3A_87 = arith.constant 0 : i32
        %eq3A_88 = arith.cmpi eq, %jit3A_86, %eq3A_87 : i32
        %jit3A_89 = arith.constant 1 : i32
        %select_n3A_90 = arith.select %eq3A_88, %jit3A_89, %jit3A_86 : i32
        %rem3A_91 = arith.remsi %scan3A_84, %select_n3A_90 : i32
        %ne3A_92 = arith.constant 0 : i32
        %ne3A_93 = arith.cmpi ne, %rem3A_91, %ne3A_92 : i32
        %lt3A = arith.constant 0 : i32
        %lt3A_94 = arith.cmpi slt, %rem3A_91, %lt3A : i32
        %lt3A_95 = arith.constant 0 : i32
        %lt3A_96 = arith.cmpi slt, %select_n3A_90, %lt3A_95 : i32
        %ne3A_97 = arith.xori %lt3A_94, %lt3A_96 : i1
        %and3A_98 = arith.andi %ne3A_97, %ne3A_93 : i1
        %add3A_99 = arith.addi %rem3A_91, %select_n3A_90 : i32
        %select_n3A_100 = arith.select %and3A_98, %add3A_99, %rem3A_91 : i32
        %dma_start3A = arith.constant 0 : i32
        %dma_start3A_101 = tpu.memref_slice %arg7[%select_n3A_100, %dma_start3A] : memref<7x128xi32, #tpu.memory_space<vmem>> -> memref<1x128xi32, #tpu.memory_space<vmem>>
        %dma_start3A_102 = tpu.memref_squeeze %dma_start3A_101 : memref<1x128xi32, #tpu.memory_space<vmem>> -> memref<128xi32, #tpu.memory_space<vmem>>
        %dma_start3A_103 = arith.constant 0 : i32
        %dma_start3A_104 = tpu.memref_slice %arg3[%add3A_85, %dma_start3A_103] : memref<2500x128xi32, #tpu.memory_space<hbm>> -> memref<1x128xi32, #tpu.memory_space<hbm>>
        %dma_start3A_105 = tpu.memref_squeeze %dma_start3A_104 : memref<1x128xi32, #tpu.memory_space<hbm>> -> memref<128xi32, #tpu.memory_space<hbm>>
        %dma_start3A_106 = arith.constant 0 : i32
        %dma_start3A_107 = tpu.memref_slice %arg7[%select_n3A_100, %dma_start3A_106] : memref<7x128xi32, #tpu.memory_space<vmem>> -> memref<1x128xi32, #tpu.memory_space<vmem>>
        %dma_start3A_108 = tpu.memref_squeeze %dma_start3A_107 : memref<1x128xi32, #tpu.memory_space<vmem>> -> memref<128xi32, #tpu.memory_space<vmem>>
        %dma_start3A_109 = arith.constant 0 : i32
        %dma_start3A_110 = tpu.memref_slice %arg3[%add3A_85, %dma_start3A_109] : memref<2500x128xi32, #tpu.memory_space<hbm>> -> memref<1x128xi32, #tpu.memory_space<hbm>>
        %dma_start3A_111 = tpu.memref_squeeze %dma_start3A_110 : memref<1x128xi32, #tpu.memory_space<hbm>> -> memref<128xi32, #tpu.memory_space<hbm>>
        tpu.enqueue_dma source(%dma_start3A_111 : memref<128xi32, #tpu.memory_space<hbm>>) target(%dma_start3A_108 : memref<128xi32, #tpu.memory_space<vmem>>) target_semaphore(%arg13 : memref<!tpu.dma_semaphore, #tpu.memory_space<semaphore_mem>>)
        %add3A_112 = arith.addi %select_n3A, %scan3A_84 : i32
        %mul3A_113 = arith.constant 128 : i32
        %mul3A_114 = arith.muli %add3A_112, %mul3A_113 : i32
        %jit3A_115 = arith.constant 7 : i32
        %eq3A_116 = arith.constant 0 : i32
        %eq3A_117 = arith.cmpi eq, %jit3A_115, %eq3A_116 : i32
        %jit3A_118 = arith.constant 1 : i32
        %select_n3A_119 = arith.select %eq3A_117, %jit3A_118, %jit3A_115 : i32
        %rem3A_120 = arith.remsi %scan3A_84, %select_n3A_119 : i32
        %ne3A_121 = arith.constant 0 : i32
        %ne3A_122 = arith.cmpi ne, %rem3A_120, %ne3A_121 : i32
        %lt3A_123 = arith.constant 0 : i32
        %lt3A_124 = arith.cmpi slt, %rem3A_120, %lt3A_123 : i32
        %lt3A_125 = arith.constant 0 : i32
        %lt3A_126 = arith.cmpi slt, %select_n3A_119, %lt3A_125 : i32
        %ne3A_127 = arith.xori %lt3A_124, %lt3A_126 : i1
        %and3A_128 = arith.andi %ne3A_127, %ne3A_122 : i1
        %add3A_129 = arith.addi %rem3A_120, %select_n3A_119 : i32
        %select_n3A_130 = arith.select %and3A_128, %add3A_129, %rem3A_120 : i32
        %mul3A_131 = arith.constant 128 : i32
        %mul3A_132 = arith.muli %select_n3A_130, %mul3A_131 : i32
        %dma_start3A_133 = arith.constant 0 : i32
        %dma_start3A_134 = tpu.memref_slice %arg9[%mul3A_132, %dma_start3A_133] : memref<896x32xf32, #tpu.memory_space<vmem>> -> memref<128x32xf32, #tpu.memory_space<vmem>>
        %dma_start3A_135 = tpu.memref_slice %arg2[%mul3A_114, %add3A_65] : memref<320000x128xf32, #tpu.memory_space<hbm>> -> memref<128x32xf32, #tpu.memory_space<hbm>>
        %dma_start3A_136 = arith.constant 0 : i32
        %dma_start3A_137 = tpu.memref_slice %arg9[%mul3A_132, %dma_start3A_136] : memref<896x32xf32, #tpu.memory_space<vmem>> -> memref<128x32xf32, #tpu.memory_space<vmem>>
        %dma_start3A_138 = tpu.memref_slice %arg2[%mul3A_114, %add3A_65] : memref<320000x128xf32, #tpu.memory_space<hbm>> -> memref<128x32xf32, #tpu.memory_space<hbm>>
        tpu.enqueue_dma source(%dma_start3A_138 : memref<128x32xf32, #tpu.memory_space<hbm>>) target(%dma_start3A_137 : memref<128x32xf32, #tpu.memory_space<vmem>>) target_semaphore(%arg11 : memref<!tpu.dma_semaphore, #tpu.memory_space<semaphore_mem>>)
      }
      %scan3A_71 = arith.constant 7 : i32
      %add3A_72 = arith.constant 2 : i32
      %add3A_73 = arith.addi %sub3A_47, %add3A_72 : i32
      %while3A = arith.constant 0 : i32
      %while3A_74 = arith.constant 0 : i32
      %while3A_75 = arith.subi %add3A_73, %while3A_74 : i32
      %while3A_76 = arith.addi %while3A_74, %while3A_75 : i32
      %while3A_77 = arith.constant 1 : i32
      %while3A_78 = arith.divsi %while3A_75, %while3A_77 : i32
      %while3A_79 = arith.muli %while3A_78, %while3A_77 : i32
      %while3A_80 = arith.addi %while3A_74, %while3A_79 : i32
      %while3A_81 = arith.constant 1 : i32
      scf.for %while3A_84 = %while3A_74 to %while3A_80 step %while3A_81  : i32 {
        %lt3A = arith.cmpi slt, %while3A_84, %sub3A_47 : i32
        %convert_element_type3A_85 = arith.extui %lt3A : i1 to i32
        %cond3A_86 = arith.constant 0 : i32
        %cond3A_87 = arith.cmpi ne, %convert_element_type3A_85, %cond3A_86 : i32
        scf.if %cond3A_87 {
          %add3A_92 = arith.addi %select_n3A, %while3A_84 : i32
          %jit3A_93 = arith.constant 7 : i32
          %eq3A_94 = arith.constant 0 : i32
          %eq3A_95 = arith.cmpi eq, %jit3A_93, %eq3A_94 : i32
          %jit3A_96 = arith.constant 1 : i32
          %select_n3A_97 = arith.select %eq3A_95, %jit3A_96, %jit3A_93 : i32
          %rem3A_98 = arith.remsi %while3A_84, %select_n3A_97 : i32
          %ne3A_99 = arith.constant 0 : i32
          %ne3A_100 = arith.cmpi ne, %rem3A_98, %ne3A_99 : i32
          %lt3A_101 = arith.constant 0 : i32
          %lt3A_102 = arith.cmpi slt, %rem3A_98, %lt3A_101 : i32
          %lt3A_103 = arith.constant 0 : i32
          %lt3A_104 = arith.cmpi slt, %select_n3A_97, %lt3A_103 : i32
          %ne3A_105 = arith.xori %lt3A_102, %lt3A_104 : i1
          %and3A_106 = arith.andi %ne3A_105, %ne3A_100 : i1
          %add3A_107 = arith.addi %rem3A_98, %select_n3A_97 : i32
          %select_n3A_108 = arith.select %and3A_106, %add3A_107, %rem3A_98 : i32
          %dma_wait3A = arith.constant 0 : i32
          %dma_wait3A_109 = tpu.memref_slice %arg7[%select_n3A_108, %dma_wait3A] : memref<7x128xi32, #tpu.memory_space<vmem>> -> memref<1x128xi32, #tpu.memory_space<vmem>>
          %dma_wait3A_110 = tpu.memref_squeeze %dma_wait3A_109 : memref<1x128xi32, #tpu.memory_space<vmem>> -> memref<128xi32, #tpu.memory_space<vmem>>
          %dma_wait3A_111 = arith.constant 0 : i32
          %dma_wait3A_112 = tpu.memref_slice %arg3[%add3A_92, %dma_wait3A_111] : memref<2500x128xi32, #tpu.memory_space<hbm>> -> memref<1x128xi32, #tpu.memory_space<hbm>>
          %dma_wait3A_113 = tpu.memref_squeeze %dma_wait3A_112 : memref<1x128xi32, #tpu.memory_space<hbm>> -> memref<128xi32, #tpu.memory_space<hbm>>
          %dma_wait3A_114 = arith.constant 0 : i32
          %dma_wait3A_115 = tpu.memref_slice %arg7[%select_n3A_108, %dma_wait3A_114] : memref<7x128xi32, #tpu.memory_space<vmem>> -> memref<1x128xi32, #tpu.memory_space<vmem>>
          %dma_wait3A_116 = tpu.memref_squeeze %dma_wait3A_115 : memref<1x128xi32, #tpu.memory_space<vmem>> -> memref<128xi32, #tpu.memory_space<vmem>>
          %dma_wait3A_117 = arith.constant 0 : i32
          %dma_wait3A_118 = tpu.memref_slice %arg3[%add3A_92, %dma_wait3A_117] : memref<2500x128xi32, #tpu.memory_space<hbm>> -> memref<1x128xi32, #tpu.memory_space<hbm>>
          %dma_wait3A_119 = tpu.memref_squeeze %dma_wait3A_118 : memref<1x128xi32, #tpu.memory_space<hbm>> -> memref<128xi32, #tpu.memory_space<hbm>>
          tpu.wait_dma2 semaphore(%arg13 : memref<!tpu.dma_semaphore, #tpu.memory_space<semaphore_mem>>) src(%dma_wait3A_119 : memref<128xi32, #tpu.memory_space<hbm>>) dst(%dma_wait3A_116 : memref<128xi32, #tpu.memory_space<vmem>>)
          %jit3A_120 = arith.constant 7 : i32
          %eq3A_121 = arith.constant 0 : i32
          %eq3A_122 = arith.cmpi eq, %jit3A_120, %eq3A_121 : i32
          %jit3A_123 = arith.constant 1 : i32
          %select_n3A_124 = arith.select %eq3A_122, %jit3A_123, %jit3A_120 : i32
          %rem3A_125 = arith.remsi %while3A_84, %select_n3A_124 : i32
          %ne3A_126 = arith.constant 0 : i32
          %ne3A_127 = arith.cmpi ne, %rem3A_125, %ne3A_126 : i32
          %lt3A_128 = arith.constant 0 : i32
          %lt3A_129 = arith.cmpi slt, %rem3A_125, %lt3A_128 : i32
          %lt3A_130 = arith.constant 0 : i32
          %lt3A_131 = arith.cmpi slt, %select_n3A_124, %lt3A_130 : i32
          %ne3A_132 = arith.xori %lt3A_129, %lt3A_131 : i1
          %and3A_133 = arith.andi %ne3A_132, %ne3A_127 : i1
          %add3A_134 = arith.addi %rem3A_125, %select_n3A_124 : i32
          %select_n3A_135 = arith.select %and3A_133, %add3A_134, %rem3A_125 : i32
          %eq3A_136 = arith.constant 0 : i32
          %eq3A_137 = arith.cmpi eq, %scan3A_60, %eq3A_136 : i32
          %convert_element_type3A_138 = arith.extui %eq3A_137 : i1 to i32
          %cond3A_139 = arith.constant 0 : i32
          %cond3A_140 = arith.cmpi ne, %convert_element_type3A_138, %cond3A_139 : i32
          scf.if %cond3A_140 {
            %get3A = arith.index_cast %select_n3A_135 : i32 to index
            %get3A_209 = arith.constant 0 : index
            %get3A_210 = tpu.vector_load %arg7[%get3A, %get3A_209] {strides = array<i32>} : memref<7x128xi32, #tpu.memory_space<vmem>>, vector<16xi32>,
            tpu.vector_store_idx %arg8[%get3A_210], %broadcast_in_dim3A_50 {add = true} : memref<32768xf32, #tpu.memory_space<vmem>>[vector<16xi32>], vector<16xf32>,
            %get3A_211 = arith.index_cast %select_n3A_135 : i32 to index
            %get3A_212 = arith.constant 16 : index
            %get3A_213 = tpu.vector_load %arg7[%get3A_211, %get3A_212] {strides = array<i32>} : memref<7x128xi32, #tpu.memory_space<vmem>>, vector<16xi32>,
            tpu.vector_store_idx %arg8[%get3A_213], %broadcast_in_dim3A_50 {add = true} : memref<32768xf32, #tpu.memory_space<vmem>>[vector<16xi32>], vector<16xf32>,
            %get3A_214 = arith.index_cast %select_n3A_135 : i32 to index
            %get3A_215 = arith.constant 32 : index
            %get3A_216 = tpu.vector_load %arg7[%get3A_214, %get3A_215] {strides = array<i32>} : memref<7x128xi32, #tpu.memory_space<vmem>>, vector<16xi32>,
            tpu.vector_store_idx %arg8[%get3A_216], %broadcast_in_dim3A_50 {add = true} : memref<32768xf32, #tpu.memory_space<vmem>>[vector<16xi32>], vector<16xf32>,
            %get3A_217 = arith.index_cast %select_n3A_135 : i32 to index
            %get3A_218 = arith.constant 48 : index
            %get3A_219 = tpu.vector_load %arg7[%get3A_217, %get3A_218] {strides = array<i32>} : memref<7x128xi32, #tpu.memory_space<vmem>>, vector<16xi32>,
            tpu.vector_store_idx %arg8[%get3A_219], %broadcast_in_dim3A_50 {add = true} : memref<32768xf32, #tpu.memory_space<vmem>>[vector<16xi32>], vector<16xf32>,
            %get3A_220 = arith.index_cast %select_n3A_135 : i32 to index
            %get3A_221 = arith.constant 64 : index
            %get3A_222 = tpu.vector_load %arg7[%get3A_220, %get3A_221] {strides = array<i32>} : memref<7x128xi32, #tpu.memory_space<vmem>>, vector<16xi32>,
            tpu.vector_store_idx %arg8[%get3A_222], %broadcast_in_dim3A_50 {add = true} : memref<32768xf32, #tpu.memory_space<vmem>>[vector<16xi32>], vector<16xf32>,
            %get3A_223 = arith.index_cast %select_n3A_135 : i32 to index
            %get3A_224 = arith.constant 80 : index
            %get3A_225 = tpu.vector_load %arg7[%get3A_223, %get3A_224] {strides = array<i32>} : memref<7x128xi32, #tpu.memory_space<vmem>>, vector<16xi32>,
            tpu.vector_store_idx %arg8[%get3A_225], %broadcast_in_dim3A_50 {add = true} : memref<32768xf32, #tpu.memory_space<vmem>>[vector<16xi32>], vector<16xf32>,
            %get3A_226 = arith.index_cast %select_n3A_135 : i32 to index
            %get3A_227 = arith.constant 96 : index
            %get3A_228 = tpu.vector_load %arg7[%get3A_226, %get3A_227] {strides = array<i32>} : memref<7x128xi32, #tpu.memory_space<vmem>>, vector<16xi32>,
            tpu.vector_store_idx %arg8[%get3A_228], %broadcast_in_dim3A_50 {add = true} : memref<32768xf32, #tpu.memory_space<vmem>>[vector<16xi32>], vector<16xf32>,
            %get3A_229 = arith.index_cast %select_n3A_135 : i32 to index
            %get3A_230 = arith.constant 112 : index
            %get3A_231 = tpu.vector_load %arg7[%get3A_229, %get3A_230] {strides = array<i32>} : memref<7x128xi32, #tpu.memory_space<vmem>>, vector<16xi32>,
            tpu.vector_store_idx %arg8[%get3A_231], %broadcast_in_dim3A_50 {add = true} : memref<32768xf32, #tpu.memory_space<vmem>>[vector<16xi32>], vector<16xf32>,
          } else {
          }
          %add3A_141 = arith.addi %select_n3A, %while3A_84 : i32
          %mul3A_142 = arith.constant 128 : i32
          %mul3A_143 = arith.muli %add3A_141, %mul3A_142 : i32
          %jit3A_144 = arith.constant 7 : i32
          %eq3A_145 = arith.constant 0 : i32
          %eq3A_146 = arith.cmpi eq, %jit3A_144, %eq3A_145 : i32
          %jit3A_147 = arith.constant 1 : i32
          %select_n3A_148 = arith.select %eq3A_146, %jit3A_147, %jit3A_144 : i32
          %rem3A_149 = arith.remsi %while3A_84, %select_n3A_148 : i32
          %ne3A_150 = arith.constant 0 : i32
          %ne3A_151 = arith.cmpi ne, %rem3A_149, %ne3A_150 : i32
          %lt3A_152 = arith.constant 0 : i32
          %lt3A_153 = arith.cmpi slt, %rem3A_149, %lt3A_152 : i32
          %lt3A_154 = arith.constant 0 : i32
          %lt3A_155 = arith.cmpi slt, %select_n3A_148, %lt3A_154 : i32
          %ne3A_156 = arith.xori %lt3A_153, %lt3A_155 : i1
          %and3A_157 = arith.andi %ne3A_156, %ne3A_151 : i1
          %add3A_158 = arith.addi %rem3A_149, %select_n3A_148 : i32
          %select_n3A_159 = arith.select %and3A_157, %add3A_158, %rem3A_149 : i32
          %mul3A_160 = arith.constant 128 : i32
          %mul3A_161 = arith.muli %select_n3A_159, %mul3A_160 : i32
          %dma_wait3A_162 = arith.constant 0 : i32
          %dma_wait3A_163 = tpu.memref_slice %arg9[%mul3A_161, %dma_wait3A_162] : memref<896x32xf32, #tpu.memory_space<vmem>> -> memref<128x32xf32, #tpu.memory_space<vmem>>
          %dma_wait3A_164 = tpu.memref_slice %arg2[%mul3A_143, %add3A_65] : memref<320000x128xf32, #tpu.memory_space<hbm>> -> memref<128x32xf32, #tpu.memory_space<hbm>>
          %dma_wait3A_165 = arith.constant 0 : i32
          %dma_wait3A_166 = tpu.memref_slice %arg9[%mul3A_161, %dma_wait3A_165] : memref<896x32xf32, #tpu.memory_space<vmem>> -> memref<128x32xf32, #tpu.memory_space<vmem>>
          %dma_wait3A_167 = tpu.memref_slice %arg2[%mul3A_143, %add3A_65] : memref<320000x128xf32, #tpu.memory_space<hbm>> -> memref<128x32xf32, #tpu.memory_space<hbm>>
          tpu.wait_dma2 semaphore(%arg11 : memref<!tpu.dma_semaphore, #tpu.memory_space<semaphore_mem>>) src(%dma_wait3A_167 : memref<128x32xf32, #tpu.memory_space<hbm>>) dst(%dma_wait3A_166 : memref<128x32xf32, #tpu.memory_space<vmem>>)
          %jit3A_168 = arith.constant 7 : i32
          %eq3A_169 = arith.constant 0 : i32
          %eq3A_170 = arith.cmpi eq, %jit3A_168, %eq3A_169 : i32
          %jit3A_171 = arith.constant 1 : i32
          %select_n3A_172 = arith.select %eq3A_170, %jit3A_171, %jit3A_168 : i32
          %rem3A_173 = arith.remsi %while3A_84, %select_n3A_172 : i32
          %ne3A_174 = arith.constant 0 : i32
          %ne3A_175 = arith.cmpi ne, %rem3A_173, %ne3A_174 : i32
          %lt3A_176 = arith.constant 0 : i32
          %lt3A_177 = arith.cmpi slt, %rem3A_173, %lt3A_176 : i32
          %lt3A_178 = arith.constant 0 : i32
          %lt3A_179 = arith.cmpi slt, %select_n3A_172, %lt3A_178 : i32
          %ne3A_180 = arith.xori %lt3A_177, %lt3A_179 : i1
          %and3A_181 = arith.andi %ne3A_180, %ne3A_175 : i1
          %add3A_182 = arith.addi %rem3A_173, %select_n3A_172 : i32
          %select_n3A_183 = arith.select %and3A_181, %add3A_182, %rem3A_173 : i32
          %mul3A_184 = arith.constant 128 : i32
          %mul3A_185 = arith.muli %select_n3A_183, %mul3A_184 : i32
          %jit3A_186 = arith.constant 7 : i32
          %eq3A_187 = arith.constant 0 : i32
          %eq3A_188 = arith.cmpi eq, %jit3A_186, %eq3A_187 : i32
          %jit3A_189 = arith.constant 1 : i32
          %select_n3A_190 = arith.select %eq3A_188, %jit3A_189, %jit3A_186 : i32
          %rem3A_191 = arith.remsi %while3A_84, %select_n3A_190 : i32
          %ne3A_192 = arith.constant 0 : i32
          %ne3A_193 = arith.cmpi ne, %rem3A_191, %ne3A_192 : i32
          %lt3A_194 = arith.constant 0 : i32
          %lt3A_195 = arith.cmpi slt, %rem3A_191, %lt3A_194 : i32
          %lt3A_196 = arith.constant 0 : i32
          %lt3A_197 = arith.cmpi slt, %select_n3A_190, %lt3A_196 : i32
          %ne3A_198 = arith.xori %lt3A_195, %lt3A_197 : i1
          %and3A_199 = arith.andi %ne3A_198, %ne3A_193 : i1
          %add3A_200 = arith.addi %rem3A_191, %select_n3A_190 : i32
          %select_n3A_201 = arith.select %and3A_199, %add3A_200, %rem3A_191 : i32
          %dma_start3A = arith.constant 0 : i32
          %dma_start3A_202 = tpu.memref_slice %arg9[%mul3A_185, %dma_start3A] : memref<896x32xf32, #tpu.memory_space<vmem>> -> memref<128x32xf32, #tpu.memory_space<vmem>>
          %dma_start3A_203 = arith.constant 0 : i32
          %dma_start3A_204 = tpu.memref_slice %arg7[%select_n3A_201, %dma_start3A_203] : memref<7x128xi32, #tpu.memory_space<vmem>> -> memref<1x128xi32, #tpu.memory_space<vmem>>
          %dma_start3A_205 = tpu.memref_squeeze %dma_start3A_204 : memref<1x128xi32, #tpu.memory_space<vmem>> -> memref<128xi32, #tpu.memory_space<vmem>>
          %dma_start3A_206 = arith.constant 0 : i32
          %dma_start3A_207 = arith.constant 0 : i32
          %dma_start3A_208 = tpu.memref_slice %arg10[%dma_start3A_206, %dma_start3A_207] : memref<32768x32xf32, #tpu.memory_space<vmem_shared>> -> memref<32768x32xf32, #tpu.memory_space<vmem_shared>>
          tpu.enqueue_indirect_dma source(%dma_start3A_202 : memref<128x32xf32, #tpu.memory_space<vmem>>) target(%dma_start3A_208 : memref<32768x32xf32, #tpu.memory_space<vmem_shared>>) offsets(%dma_start3A_205 : memref<128xi32, #tpu.memory_space<vmem>>) semaphore(%arg12 : memref<!tpu.dma_semaphore, #tpu.memory_space<semaphore_mem>>) {add = true}
        } else {
        }
        %ge3A = arith.constant 2 : i32
        %ge3A_88 = arith.cmpi sge, %while3A_84, %ge3A : i32
        %convert_element_type3A_89 = arith.extui %ge3A_88 : i1 to i32
        %cond3A_90 = arith.constant 0 : i32
        %cond3A_91 = arith.cmpi ne, %convert_element_type3A_89, %cond3A_90 : i32
        scf.if %cond3A_91 {
          %dma_wait3A = arith.constant 0 : i32
          %dma_wait3A_92 = arith.constant 0 : i32
          %dma_wait3A_93 = arith.constant 0 : i32
          %dma_wait3A_94 = tpu.memref_slice %arg9[%dma_wait3A_92, %dma_wait3A_93] : memref<896x32xf32, #tpu.memory_space<vmem>> -> memref<128x32xf32, #tpu.memory_space<vmem>>
          %dma_wait3A_95 = arith.constant 0 : i32
          %dma_wait3A_96 = tpu.memref_slice %arg7[%dma_wait3A, %dma_wait3A_95] : memref<7x128xi32, #tpu.memory_space<vmem>> -> memref<1x128xi32, #tpu.memory_space<vmem>>
          %dma_wait3A_97 = tpu.memref_squeeze %dma_wait3A_96 : memref<1x128xi32, #tpu.memory_space<vmem>> -> memref<128xi32, #tpu.memory_space<vmem>>
          %dma_wait3A_98 = arith.constant 0 : i32
          %dma_wait3A_99 = arith.constant 0 : i32
          %dma_wait3A_100 = tpu.memref_slice %arg10[%dma_wait3A_98, %dma_wait3A_99] : memref<32768x32xf32, #tpu.memory_space<vmem_shared>> -> memref<32768x32xf32, #tpu.memory_space<vmem_shared>>
          tpu.wait_indirect_dma semaphore(%arg12 : memref<!tpu.dma_semaphore, #tpu.memory_space<semaphore_mem>>) src(%dma_wait3A_94 : memref<128x32xf32, #tpu.memory_space<vmem>>) dst(%dma_wait3A_100 : memref<32768x32xf32, #tpu.memory_space<vmem_shared>>)
          %sub3A_101 = arith.constant 2 : i32
          %sub3A_102 = arith.subi %while3A_84, %sub3A_101 : i32
          %add3A_103 = arith.constant 7 : i32
          %add3A_104 = arith.addi %sub3A_102, %add3A_103 : i32
          %lt3A_105 = arith.cmpi slt, %add3A_104, %sub3A_47 : i32
          %convert_element_type3A_106 = arith.extui %lt3A_105 : i1 to i32
          %cond3A_107 = arith.constant 0 : i32
          %cond3A_108 = arith.cmpi ne, %convert_element_type3A_106, %cond3A_107 : i32
          scf.if %cond3A_108 {
            %sub3A_109 = arith.constant 2 : i32
            %sub3A_110 = arith.subi %while3A_84, %sub3A_109 : i32
            %add3A_111 = arith.constant 7 : i32
            %add3A_112 = arith.addi %sub3A_110, %add3A_111 : i32
            %add3A_113 = arith.addi %select_n3A, %add3A_112 : i32
            %jit3A_114 = arith.constant 7 : i32
            %eq3A_115 = arith.constant 0 : i32
            %eq3A_116 = arith.cmpi eq, %jit3A_114, %eq3A_115 : i32
            %jit3A_117 = arith.constant 1 : i32
            %select_n3A_118 = arith.select %eq3A_116, %jit3A_117, %jit3A_114 : i32
            %rem3A_119 = arith.remsi %add3A_112, %select_n3A_118 : i32
            %ne3A_120 = arith.constant 0 : i32
            %ne3A_121 = arith.cmpi ne, %rem3A_119, %ne3A_120 : i32
            %lt3A_122 = arith.constant 0 : i32
            %lt3A_123 = arith.cmpi slt, %rem3A_119, %lt3A_122 : i32
            %lt3A_124 = arith.constant 0 : i32
            %lt3A_125 = arith.cmpi slt, %select_n3A_118, %lt3A_124 : i32
            %ne3A_126 = arith.xori %lt3A_123, %lt3A_125 : i1
            %and3A_127 = arith.andi %ne3A_126, %ne3A_121 : i1
            %add3A_128 = arith.addi %rem3A_119, %select_n3A_118 : i32
            %select_n3A_129 = arith.select %and3A_127, %add3A_128, %rem3A_119 : i32
            %dma_start3A = arith.constant 0 : i32
            %dma_start3A_130 = tpu.memref_slice %arg7[%select_n3A_129, %dma_start3A] : memref<7x128xi32, #tpu.memory_space<vmem>> -> memref<1x128xi32, #tpu.memory_space<vmem>>
            %dma_start3A_131 = tpu.memref_squeeze %dma_start3A_130 : memref<1x128xi32, #tpu.memory_space<vmem>> -> memref<128xi32, #tpu.memory_space<vmem>>
            %dma_start3A_132 = arith.constant 0 : i32
            %dma_start3A_133 = tpu.memref_slice %arg3[%add3A_113, %dma_start3A_132] : memref<2500x128xi32, #tpu.memory_space<hbm>> -> memref<1x128xi32, #tpu.memory_space<hbm>>
            %dma_start3A_134 = tpu.memref_squeeze %dma_start3A_133 : memref<1x128xi32, #tpu.memory_space<hbm>> -> memref<128xi32, #tpu.memory_space<hbm>>
            %dma_start3A_135 = arith.constant 0 : i32
            %dma_start3A_136 = tpu.memref_slice %arg7[%select_n3A_129, %dma_start3A_135] : memref<7x128xi32, #tpu.memory_space<vmem>> -> memref<1x128xi32, #tpu.memory_space<vmem>>
            %dma_start3A_137 = tpu.memref_squeeze %dma_start3A_136 : memref<1x128xi32, #tpu.memory_space<vmem>> -> memref<128xi32, #tpu.memory_space<vmem>>
            %dma_start3A_138 = arith.constant 0 : i32
            %dma_start3A_139 = tpu.memref_slice %arg3[%add3A_113, %dma_start3A_138] : memref<2500x128xi32, #tpu.memory_space<hbm>> -> memref<1x128xi32, #tpu.memory_space<hbm>>
            %dma_start3A_140 = tpu.memref_squeeze %dma_start3A_139 : memref<1x128xi32, #tpu.memory_space<hbm>> -> memref<128xi32, #tpu.memory_space<hbm>>
            tpu.enqueue_dma source(%dma_start3A_140 : memref<128xi32, #tpu.memory_space<hbm>>) target(%dma_start3A_137 : memref<128xi32, #tpu.memory_space<vmem>>) target_semaphore(%arg13 : memref<!tpu.dma_semaphore, #tpu.memory_space<semaphore_mem>>)
            %add3A_141 = arith.addi %select_n3A, %add3A_112 : i32
            %mul3A_142 = arith.constant 128 : i32
            %mul3A_143 = arith.muli %add3A_141, %mul3A_142 : i32
            %jit3A_144 = arith.constant 7 : i32
            %eq3A_145 = arith.constant 0 : i32
            %eq3A_146 = arith.cmpi eq, %jit3A_144, %eq3A_145 : i32
            %jit3A_147 = arith.constant 1 : i32
            %select_n3A_148 = arith.select %eq3A_146, %jit3A_147, %jit3A_144 : i32
            %rem3A_149 = arith.remsi %add3A_112, %select_n3A_148 : i32
            %ne3A_150 = arith.constant 0 : i32
            %ne3A_151 = arith.cmpi ne, %rem3A_149, %ne3A_150 : i32
            %lt3A_152 = arith.constant 0 : i32
            %lt3A_153 = arith.cmpi slt, %rem3A_149, %lt3A_152 : i32
            %lt3A_154 = arith.constant 0 : i32
            %lt3A_155 = arith.cmpi slt, %select_n3A_148, %lt3A_154 : i32
            %ne3A_156 = arith.xori %lt3A_153, %lt3A_155 : i1
            %and3A_157 = arith.andi %ne3A_156, %ne3A_151 : i1
            %add3A_158 = arith.addi %rem3A_149, %select_n3A_148 : i32
            %select_n3A_159 = arith.select %and3A_157, %add3A_158, %rem3A_149 : i32
            %mul3A_160 = arith.constant 128 : i32
            %mul3A_161 = arith.muli %select_n3A_159, %mul3A_160 : i32
            %dma_start3A_162 = arith.constant 0 : i32
            %dma_start3A_163 = tpu.memref_slice %arg9[%mul3A_161, %dma_start3A_162] : memref<896x32xf32, #tpu.memory_space<vmem>> -> memref<128x32xf32, #tpu.memory_space<vmem>>
            %dma_start3A_164 = tpu.memref_slice %arg2[%mul3A_143, %add3A_65] : memref<320000x128xf32, #tpu.memory_space<hbm>> -> memref<128x32xf32, #tpu.memory_space<hbm>>
            %dma_start3A_165 = arith.constant 0 : i32
            %dma_start3A_166 = tpu.memref_slice %arg9[%mul3A_161, %dma_start3A_165] : memref<896x32xf32, #tpu.memory_space<vmem>> -> memref<128x32xf32, #tpu.memory_space<vmem>>
            %dma_start3A_167 = tpu.memref_slice %arg2[%mul3A_143, %add3A_65] : memref<320000x128xf32, #tpu.memory_space<hbm>> -> memref<128x32xf32, #tpu.memory_space<hbm>>
            tpu.enqueue_dma source(%dma_start3A_167 : memref<128x32xf32, #tpu.memory_space<hbm>>) target(%dma_start3A_166 : memref<128x32xf32, #tpu.memory_space<vmem>>) target_semaphore(%arg11 : memref<!tpu.dma_semaphore, #tpu.memory_space<semaphore_mem>>)
          } else {
          }
        } else {
        }
      }
      %while3A_82 = arith.constant 1 : i32
      scf.for %while3A_84 = %while3A_80 to %while3A_76 step %while3A_82  : i32 {
        %lt3A = arith.cmpi slt, %while3A_84, %sub3A_47 : i32
        %convert_element_type3A_85 = arith.extui %lt3A : i1 to i32
        %cond3A_86 = arith.constant 0 : i32
        %cond3A_87 = arith.cmpi ne, %convert_element_type3A_85, %cond3A_86 : i32
        scf.if %cond3A_87 {
          %add3A_92 = arith.addi %select_n3A, %while3A_84 : i32
          %jit3A_93 = arith.constant 7 : i32
          %eq3A_94 = arith.constant 0 : i32
          %eq3A_95 = arith.cmpi eq, %jit3A_93, %eq3A_94 : i32
          %jit3A_96 = arith.constant 1 : i32
          %select_n3A_97 = arith.select %eq3A_95, %jit3A_96, %jit3A_93 : i32
          %rem3A_98 = arith.remsi %while3A_84, %select_n3A_97 : i32
          %ne3A_99 = arith.constant 0 : i32
          %ne3A_100 = arith.cmpi ne, %rem3A_98, %ne3A_99 : i32
          %lt3A_101 = arith.constant 0 : i32
          %lt3A_102 = arith.cmpi slt, %rem3A_98, %lt3A_101 : i32
          %lt3A_103 = arith.constant 0 : i32
          %lt3A_104 = arith.cmpi slt, %select_n3A_97, %lt3A_103 : i32
          %ne3A_105 = arith.xori %lt3A_102, %lt3A_104 : i1
          %and3A_106 = arith.andi %ne3A_105, %ne3A_100 : i1
          %add3A_107 = arith.addi %rem3A_98, %select_n3A_97 : i32
          %select_n3A_108 = arith.select %and3A_106, %add3A_107, %rem3A_98 : i32
          %dma_wait3A = arith.constant 0 : i32
          %dma_wait3A_109 = tpu.memref_slice %arg7[%select_n3A_108, %dma_wait3A] : memref<7x128xi32, #tpu.memory_space<vmem>> -> memref<1x128xi32, #tpu.memory_space<vmem>>
          %dma_wait3A_110 = tpu.memref_squeeze %dma_wait3A_109 : memref<1x128xi32, #tpu.memory_space<vmem>> -> memref<128xi32, #tpu.memory_space<vmem>>
          %dma_wait3A_111 = arith.constant 0 : i32
          %dma_wait3A_112 = tpu.memref_slice %arg3[%add3A_92, %dma_wait3A_111] : memref<2500x128xi32, #tpu.memory_space<hbm>> -> memref<1x128xi32, #tpu.memory_space<hbm>>
          %dma_wait3A_113 = tpu.memref_squeeze %dma_wait3A_112 : memref<1x128xi32, #tpu.memory_space<hbm>> -> memref<128xi32, #tpu.memory_space<hbm>>
          %dma_wait3A_114 = arith.constant 0 : i32
          %dma_wait3A_115 = tpu.memref_slice %arg7[%select_n3A_108, %dma_wait3A_114] : memref<7x128xi32, #tpu.memory_space<vmem>> -> memref<1x128xi32, #tpu.memory_space<vmem>>
          %dma_wait3A_116 = tpu.memref_squeeze %dma_wait3A_115 : memref<1x128xi32, #tpu.memory_space<vmem>> -> memref<128xi32, #tpu.memory_space<vmem>>
          %dma_wait3A_117 = arith.constant 0 : i32
          %dma_wait3A_118 = tpu.memref_slice %arg3[%add3A_92, %dma_wait3A_117] : memref<2500x128xi32, #tpu.memory_space<hbm>> -> memref<1x128xi32, #tpu.memory_space<hbm>>
          %dma_wait3A_119 = tpu.memref_squeeze %dma_wait3A_118 : memref<1x128xi32, #tpu.memory_space<hbm>> -> memref<128xi32, #tpu.memory_space<hbm>>
          tpu.wait_dma2 semaphore(%arg13 : memref<!tpu.dma_semaphore, #tpu.memory_space<semaphore_mem>>) src(%dma_wait3A_119 : memref<128xi32, #tpu.memory_space<hbm>>) dst(%dma_wait3A_116 : memref<128xi32, #tpu.memory_space<vmem>>)
          %jit3A_120 = arith.constant 7 : i32
          %eq3A_121 = arith.constant 0 : i32
          %eq3A_122 = arith.cmpi eq, %jit3A_120, %eq3A_121 : i32
          %jit3A_123 = arith.constant 1 : i32
          %select_n3A_124 = arith.select %eq3A_122, %jit3A_123, %jit3A_120 : i32
          %rem3A_125 = arith.remsi %while3A_84, %select_n3A_124 : i32
          %ne3A_126 = arith.constant 0 : i32
          %ne3A_127 = arith.cmpi ne, %rem3A_125, %ne3A_126 : i32
          %lt3A_128 = arith.constant 0 : i32
          %lt3A_129 = arith.cmpi slt, %rem3A_125, %lt3A_128 : i32
          %lt3A_130 = arith.constant 0 : i32
          %lt3A_131 = arith.cmpi slt, %select_n3A_124, %lt3A_130 : i32
          %ne3A_132 = arith.xori %lt3A_129, %lt3A_131 : i1
          %and3A_133 = arith.andi %ne3A_132, %ne3A_127 : i1
          %add3A_134 = arith.addi %rem3A_125, %select_n3A_124 : i32
          %select_n3A_135 = arith.select %and3A_133, %add3A_134, %rem3A_125 : i32
          %eq3A_136 = arith.constant 0 : i32
          %eq3A_137 = arith.cmpi eq, %scan3A_60, %eq3A_136 : i32
          %convert_element_type3A_138 = arith.extui %eq3A_137 : i1 to i32
          %cond3A_139 = arith.constant 0 : i32
          %cond3A_140 = arith.cmpi ne, %convert_element_type3A_138, %cond3A_139 : i32
          scf.if %cond3A_140 {
            %get3A = arith.index_cast %select_n3A_135 : i32 to index
            %get3A_209 = arith.constant 0 : index
            %get3A_210 = tpu.vector_load %arg7[%get3A, %get3A_209] {strides = array<i32>} : memref<7x128xi32, #tpu.memory_space<vmem>>, vector<16xi32>,
            tpu.vector_store_idx %arg8[%get3A_210], %broadcast_in_dim3A_50 {add = true} : memref<32768xf32, #tpu.memory_space<vmem>>[vector<16xi32>], vector<16xf32>,
            %get3A_211 = arith.index_cast %select_n3A_135 : i32 to index
            %get3A_212 = arith.constant 16 : index
            %get3A_213 = tpu.vector_load %arg7[%get3A_211, %get3A_212] {strides = array<i32>} : memref<7x128xi32, #tpu.memory_space<vmem>>, vector<16xi32>,
            tpu.vector_store_idx %arg8[%get3A_213], %broadcast_in_dim3A_50 {add = true} : memref<32768xf32, #tpu.memory_space<vmem>>[vector<16xi32>], vector<16xf32>,
            %get3A_214 = arith.index_cast %select_n3A_135 : i32 to index
            %get3A_215 = arith.constant 32 : index
            %get3A_216 = tpu.vector_load %arg7[%get3A_214, %get3A_215] {strides = array<i32>} : memref<7x128xi32, #tpu.memory_space<vmem>>, vector<16xi32>,
            tpu.vector_store_idx %arg8[%get3A_216], %broadcast_in_dim3A_50 {add = true} : memref<32768xf32, #tpu.memory_space<vmem>>[vector<16xi32>], vector<16xf32>,
            %get3A_217 = arith.index_cast %select_n3A_135 : i32 to index
            %get3A_218 = arith.constant 48 : index
            %get3A_219 = tpu.vector_load %arg7[%get3A_217, %get3A_218] {strides = array<i32>} : memref<7x128xi32, #tpu.memory_space<vmem>>, vector<16xi32>,
            tpu.vector_store_idx %arg8[%get3A_219], %broadcast_in_dim3A_50 {add = true} : memref<32768xf32, #tpu.memory_space<vmem>>[vector<16xi32>], vector<16xf32>,
            %get3A_220 = arith.index_cast %select_n3A_135 : i32 to index
            %get3A_221 = arith.constant 64 : index
            %get3A_222 = tpu.vector_load %arg7[%get3A_220, %get3A_221] {strides = array<i32>} : memref<7x128xi32, #tpu.memory_space<vmem>>, vector<16xi32>,
            tpu.vector_store_idx %arg8[%get3A_222], %broadcast_in_dim3A_50 {add = true} : memref<32768xf32, #tpu.memory_space<vmem>>[vector<16xi32>], vector<16xf32>,
            %get3A_223 = arith.index_cast %select_n3A_135 : i32 to index
            %get3A_224 = arith.constant 80 : index
            %get3A_225 = tpu.vector_load %arg7[%get3A_223, %get3A_224] {strides = array<i32>} : memref<7x128xi32, #tpu.memory_space<vmem>>, vector<16xi32>,
            tpu.vector_store_idx %arg8[%get3A_225], %broadcast_in_dim3A_50 {add = true} : memref<32768xf32, #tpu.memory_space<vmem>>[vector<16xi32>], vector<16xf32>,
            %get3A_226 = arith.index_cast %select_n3A_135 : i32 to index
            %get3A_227 = arith.constant 96 : index
            %get3A_228 = tpu.vector_load %arg7[%get3A_226, %get3A_227] {strides = array<i32>} : memref<7x128xi32, #tpu.memory_space<vmem>>, vector<16xi32>,
            tpu.vector_store_idx %arg8[%get3A_228], %broadcast_in_dim3A_50 {add = true} : memref<32768xf32, #tpu.memory_space<vmem>>[vector<16xi32>], vector<16xf32>,
            %get3A_229 = arith.index_cast %select_n3A_135 : i32 to index
            %get3A_230 = arith.constant 112 : index
            %get3A_231 = tpu.vector_load %arg7[%get3A_229, %get3A_230] {strides = array<i32>} : memref<7x128xi32, #tpu.memory_space<vmem>>, vector<16xi32>,
            tpu.vector_store_idx %arg8[%get3A_231], %broadcast_in_dim3A_50 {add = true} : memref<32768xf32, #tpu.memory_space<vmem>>[vector<16xi32>], vector<16xf32>,
          } else {
          }
          %add3A_141 = arith.addi %select_n3A, %while3A_84 : i32
          %mul3A_142 = arith.constant 128 : i32
          %mul3A_143 = arith.muli %add3A_141, %mul3A_142 : i32
          %jit3A_144 = arith.constant 7 : i32
          %eq3A_145 = arith.constant 0 : i32
          %eq3A_146 = arith.cmpi eq, %jit3A_144, %eq3A_145 : i32
          %jit3A_147 = arith.constant 1 : i32
          %select_n3A_148 = arith.select %eq3A_146, %jit3A_147, %jit3A_144 : i32
          %rem3A_149 = arith.remsi %while3A_84, %select_n3A_148 : i32
          %ne3A_150 = arith.constant 0 : i32
          %ne3A_151 = arith.cmpi ne, %rem3A_149, %ne3A_150 : i32
          %lt3A_152 = arith.constant 0 : i32
          %lt3A_153 = arith.cmpi slt, %rem3A_149, %lt3A_152 : i32
          %lt3A_154 = arith.constant 0 : i32
          %lt3A_155 = arith.cmpi slt, %select_n3A_148, %lt3A_154 : i32
          %ne3A_156 = arith.xori %lt3A_153, %lt3A_155 : i1
          %and3A_157 = arith.andi %ne3A_156, %ne3A_151 : i1
          %add3A_158 = arith.addi %rem3A_149, %select_n3A_148 : i32
          %select_n3A_159 = arith.select %and3A_157, %add3A_158, %rem3A_149 : i32
          %mul3A_160 = arith.constant 128 : i32
          %mul3A_161 = arith.muli %select_n3A_159, %mul3A_160 : i32
          %dma_wait3A_162 = arith.constant 0 : i32
          %dma_wait3A_163 = tpu.memref_slice %arg9[%mul3A_161, %dma_wait3A_162] : memref<896x32xf32, #tpu.memory_space<vmem>> -> memref<128x32xf32, #tpu.memory_space<vmem>>
          %dma_wait3A_164 = tpu.memref_slice %arg2[%mul3A_143, %add3A_65] : memref<320000x128xf32, #tpu.memory_space<hbm>> -> memref<128x32xf32, #tpu.memory_space<hbm>>
          %dma_wait3A_165 = arith.constant 0 : i32
          %dma_wait3A_166 = tpu.memref_slice %arg9[%mul3A_161, %dma_wait3A_165] : memref<896x32xf32, #tpu.memory_space<vmem>> -> memref<128x32xf32, #tpu.memory_space<vmem>>
          %dma_wait3A_167 = tpu.memref_slice %arg2[%mul3A_143, %add3A_65] : memref<320000x128xf32, #tpu.memory_space<hbm>> -> memref<128x32xf32, #tpu.memory_space<hbm>>
          tpu.wait_dma2 semaphore(%arg11 : memref<!tpu.dma_semaphore, #tpu.memory_space<semaphore_mem>>) src(%dma_wait3A_167 : memref<128x32xf32, #tpu.memory_space<hbm>>) dst(%dma_wait3A_166 : memref<128x32xf32, #tpu.memory_space<vmem>>)
          %jit3A_168 = arith.constant 7 : i32
          %eq3A_169 = arith.constant 0 : i32
          %eq3A_170 = arith.cmpi eq, %jit3A_168, %eq3A_169 : i32
          %jit3A_171 = arith.constant 1 : i32
          %select_n3A_172 = arith.select %eq3A_170, %jit3A_171, %jit3A_168 : i32
          %rem3A_173 = arith.remsi %while3A_84, %select_n3A_172 : i32
          %ne3A_174 = arith.constant 0 : i32
          %ne3A_175 = arith.cmpi ne, %rem3A_173, %ne3A_174 : i32
          %lt3A_176 = arith.constant 0 : i32
          %lt3A_177 = arith.cmpi slt, %rem3A_173, %lt3A_176 : i32
          %lt3A_178 = arith.constant 0 : i32
          %lt3A_179 = arith.cmpi slt, %select_n3A_172, %lt3A_178 : i32
          %ne3A_180 = arith.xori %lt3A_177, %lt3A_179 : i1
          %and3A_181 = arith.andi %ne3A_180, %ne3A_175 : i1
          %add3A_182 = arith.addi %rem3A_173, %select_n3A_172 : i32
          %select_n3A_183 = arith.select %and3A_181, %add3A_182, %rem3A_173 : i32
          %mul3A_184 = arith.constant 128 : i32
          %mul3A_185 = arith.muli %select_n3A_183, %mul3A_184 : i32
          %jit3A_186 = arith.constant 7 : i32
          %eq3A_187 = arith.constant 0 : i32
          %eq3A_188 = arith.cmpi eq, %jit3A_186, %eq3A_187 : i32
          %jit3A_189 = arith.constant 1 : i32
          %select_n3A_190 = arith.select %eq3A_188, %jit3A_189, %jit3A_186 : i32
          %rem3A_191 = arith.remsi %while3A_84, %select_n3A_190 : i32
          %ne3A_192 = arith.constant 0 : i32
          %ne3A_193 = arith.cmpi ne, %rem3A_191, %ne3A_192 : i32
          %lt3A_194 = arith.constant 0 : i32
          %lt3A_195 = arith.cmpi slt, %rem3A_191, %lt3A_194 : i32
          %lt3A_196 = arith.constant 0 : i32
          %lt3A_197 = arith.cmpi slt, %select_n3A_190, %lt3A_196 : i32
          %ne3A_198 = arith.xori %lt3A_195, %lt3A_197 : i1
          %and3A_199 = arith.andi %ne3A_198, %ne3A_193 : i1
          %add3A_200 = arith.addi %rem3A_191, %select_n3A_190 : i32
          %select_n3A_201 = arith.select %and3A_199, %add3A_200, %rem3A_191 : i32
          %dma_start3A = arith.constant 0 : i32
          %dma_start3A_202 = tpu.memref_slice %arg9[%mul3A_185, %dma_start3A] : memref<896x32xf32, #tpu.memory_space<vmem>> -> memref<128x32xf32, #tpu.memory_space<vmem>>
          %dma_start3A_203 = arith.constant 0 : i32
          %dma_start3A_204 = tpu.memref_slice %arg7[%select_n3A_201, %dma_start3A_203] : memref<7x128xi32, #tpu.memory_space<vmem>> -> memref<1x128xi32, #tpu.memory_space<vmem>>
          %dma_start3A_205 = tpu.memref_squeeze %dma_start3A_204 : memref<1x128xi32, #tpu.memory_space<vmem>> -> memref<128xi32, #tpu.memory_space<vmem>>
          %dma_start3A_206 = arith.constant 0 : i32
          %dma_start3A_207 = arith.constant 0 : i32
          %dma_start3A_208 = tpu.memref_slice %arg10[%dma_start3A_206, %dma_start3A_207] : memref<32768x32xf32, #tpu.memory_space<vmem_shared>> -> memref<32768x32xf32, #tpu.memory_space<vmem_shared>>
          tpu.enqueue_indirect_dma source(%dma_start3A_202 : memref<128x32xf32, #tpu.memory_space<vmem>>) target(%dma_start3A_208 : memref<32768x32xf32, #tpu.memory_space<vmem_shared>>) offsets(%dma_start3A_205 : memref<128xi32, #tpu.memory_space<vmem>>) semaphore(%arg12 : memref<!tpu.dma_semaphore, #tpu.memory_space<semaphore_mem>>) {add = true}
        } else {
        }
        %ge3A = arith.constant 2 : i32
        %ge3A_88 = arith.cmpi sge, %while3A_84, %ge3A : i32
        %convert_element_type3A_89 = arith.extui %ge3A_88 : i1 to i32
        %cond3A_90 = arith.constant 0 : i32
        %cond3A_91 = arith.cmpi ne, %convert_element_type3A_89, %cond3A_90 : i32
        scf.if %cond3A_91 {
          %dma_wait3A = arith.constant 0 : i32
          %dma_wait3A_92 = arith.constant 0 : i32
          %dma_wait3A_93 = arith.constant 0 : i32
          %dma_wait3A_94 = tpu.memref_slice %arg9[%dma_wait3A_92, %dma_wait3A_93] : memref<896x32xf32, #tpu.memory_space<vmem>> -> memref<128x32xf32, #tpu.memory_space<vmem>>
          %dma_wait3A_95 = arith.constant 0 : i32
          %dma_wait3A_96 = tpu.memref_slice %arg7[%dma_wait3A, %dma_wait3A_95] : memref<7x128xi32, #tpu.memory_space<vmem>> -> memref<1x128xi32, #tpu.memory_space<vmem>>
          %dma_wait3A_97 = tpu.memref_squeeze %dma_wait3A_96 : memref<1x128xi32, #tpu.memory_space<vmem>> -> memref<128xi32, #tpu.memory_space<vmem>>
          %dma_wait3A_98 = arith.constant 0 : i32
          %dma_wait3A_99 = arith.constant 0 : i32
          %dma_wait3A_100 = tpu.memref_slice %arg10[%dma_wait3A_98, %dma_wait3A_99] : memref<32768x32xf32, #tpu.memory_space<vmem_shared>> -> memref<32768x32xf32, #tpu.memory_space<vmem_shared>>
          tpu.wait_indirect_dma semaphore(%arg12 : memref<!tpu.dma_semaphore, #tpu.memory_space<semaphore_mem>>) src(%dma_wait3A_94 : memref<128x32xf32, #tpu.memory_space<vmem>>) dst(%dma_wait3A_100 : memref<32768x32xf32, #tpu.memory_space<vmem_shared>>)
          %sub3A_101 = arith.constant 2 : i32
          %sub3A_102 = arith.subi %while3A_84, %sub3A_101 : i32
          %add3A_103 = arith.constant 7 : i32
          %add3A_104 = arith.addi %sub3A_102, %add3A_103 : i32
          %lt3A_105 = arith.cmpi slt, %add3A_104, %sub3A_47 : i32
          %convert_element_type3A_106 = arith.extui %lt3A_105 : i1 to i32
          %cond3A_107 = arith.constant 0 : i32
          %cond3A_108 = arith.cmpi ne, %convert_element_type3A_106, %cond3A_107 : i32
          scf.if %cond3A_108 {
            %sub3A_109 = arith.constant 2 : i32
            %sub3A_110 = arith.subi %while3A_84, %sub3A_109 : i32
            %add3A_111 = arith.constant 7 : i32
            %add3A_112 = arith.addi %sub3A_110, %add3A_111 : i32
            %add3A_113 = arith.addi %select_n3A, %add3A_112 : i32
            %jit3A_114 = arith.constant 7 : i32
            %eq3A_115 = arith.constant 0 : i32
            %eq3A_116 = arith.cmpi eq, %jit3A_114, %eq3A_115 : i32
            %jit3A_117 = arith.constant 1 : i32
            %select_n3A_118 = arith.select %eq3A_116, %jit3A_117, %jit3A_114 : i32
            %rem3A_119 = arith.remsi %add3A_112, %select_n3A_118 : i32
            %ne3A_120 = arith.constant 0 : i32
            %ne3A_121 = arith.cmpi ne, %rem3A_119, %ne3A_120 : i32
            %lt3A_122 = arith.constant 0 : i32
            %lt3A_123 = arith.cmpi slt, %rem3A_119, %lt3A_122 : i32
            %lt3A_124 = arith.constant 0 : i32
            %lt3A_125 = arith.cmpi slt, %select_n3A_118, %lt3A_124 : i32
            %ne3A_126 = arith.xori %lt3A_123, %lt3A_125 : i1
            %and3A_127 = arith.andi %ne3A_126, %ne3A_121 : i1
            %add3A_128 = arith.addi %rem3A_119, %select_n3A_118 : i32
            %select_n3A_129 = arith.select %and3A_127, %add3A_128, %rem3A_119 : i32
            %dma_start3A = arith.constant 0 : i32
            %dma_start3A_130 = tpu.memref_slice %arg7[%select_n3A_129, %dma_start3A] : memref<7x128xi32, #tpu.memory_space<vmem>> -> memref<1x128xi32, #tpu.memory_space<vmem>>
            %dma_start3A_131 = tpu.memref_squeeze %dma_start3A_130 : memref<1x128xi32, #tpu.memory_space<vmem>> -> memref<128xi32, #tpu.memory_space<vmem>>
            %dma_start3A_132 = arith.constant 0 : i32
            %dma_start3A_133 = tpu.memref_slice %arg3[%add3A_113, %dma_start3A_132] : memref<2500x128xi32, #tpu.memory_space<hbm>> -> memref<1x128xi32, #tpu.memory_space<hbm>>
            %dma_start3A_134 = tpu.memref_squeeze %dma_start3A_133 : memref<1x128xi32, #tpu.memory_space<hbm>> -> memref<128xi32, #tpu.memory_space<hbm>>
            %dma_start3A_135 = arith.constant 0 : i32
            %dma_start3A_136 = tpu.memref_slice %arg7[%select_n3A_129, %dma_start3A_135] : memref<7x128xi32, #tpu.memory_space<vmem>> -> memref<1x128xi32, #tpu.memory_space<vmem>>
            %dma_start3A_137 = tpu.memref_squeeze %dma_start3A_136 : memref<1x128xi32, #tpu.memory_space<vmem>> -> memref<128xi32, #tpu.memory_space<vmem>>
            %dma_start3A_138 = arith.constant 0 : i32
            %dma_start3A_139 = tpu.memref_slice %arg3[%add3A_113, %dma_start3A_138] : memref<2500x128xi32, #tpu.memory_space<hbm>> -> memref<1x128xi32, #tpu.memory_space<hbm>>
            %dma_start3A_140 = tpu.memref_squeeze %dma_start3A_139 : memref<1x128xi32, #tpu.memory_space<hbm>> -> memref<128xi32, #tpu.memory_space<hbm>>
            tpu.enqueue_dma source(%dma_start3A_140 : memref<128xi32, #tpu.memory_space<hbm>>) target(%dma_start3A_137 : memref<128xi32, #tpu.memory_space<vmem>>) target_semaphore(%arg13 : memref<!tpu.dma_semaphore, #tpu.memory_space<semaphore_mem>>)
            %add3A_141 = arith.addi %select_n3A, %add3A_112 : i32
            %mul3A_142 = arith.constant 128 : i32
            %mul3A_143 = arith.muli %add3A_141, %mul3A_142 : i32
            %jit3A_144 = arith.constant 7 : i32
            %eq3A_145 = arith.constant 0 : i32
            %eq3A_146 = arith.cmpi eq, %jit3A_144, %eq3A_145 : i32
            %jit3A_147 = arith.constant 1 : i32
            %select_n3A_148 = arith.select %eq3A_146, %jit3A_147, %jit3A_144 : i32
            %rem3A_149 = arith.remsi %add3A_112, %select_n3A_148 : i32
            %ne3A_150 = arith.constant 0 : i32
            %ne3A_151 = arith.cmpi ne, %rem3A_149, %ne3A_150 : i32
            %lt3A_152 = arith.constant 0 : i32
            %lt3A_153 = arith.cmpi slt, %rem3A_149, %lt3A_152 : i32
            %lt3A_154 = arith.constant 0 : i32
            %lt3A_155 = arith.cmpi slt, %select_n3A_148, %lt3A_154 : i32
            %ne3A_156 = arith.xori %lt3A_153, %lt3A_155 : i1
            %and3A_157 = arith.andi %ne3A_156, %ne3A_151 : i1
            %add3A_158 = arith.addi %rem3A_149, %select_n3A_148 : i32
            %select_n3A_159 = arith.select %and3A_157, %add3A_158, %rem3A_149 : i32
            %mul3A_160 = arith.constant 128 : i32
            %mul3A_161 = arith.muli %select_n3A_159, %mul3A_160 : i32
            %dma_start3A_162 = arith.constant 0 : i32
            %dma_start3A_163 = tpu.memref_slice %arg9[%mul3A_161, %dma_start3A_162] : memref<896x32xf32, #tpu.memory_space<vmem>> -> memref<128x32xf32, #tpu.memory_space<vmem>>
            %dma_start3A_164 = tpu.memref_slice %arg2[%mul3A_143, %add3A_65] : memref<320000x128xf32, #tpu.memory_space<hbm>> -> memref<128x32xf32, #tpu.memory_space<hbm>>
            %dma_start3A_165 = arith.constant 0 : i32
            %dma_start3A_166 = tpu.memref_slice %arg9[%mul3A_161, %dma_start3A_165] : memref<896x32xf32, #tpu.memory_space<vmem>> -> memref<128x32xf32, #tpu.memory_space<vmem>>
            %dma_start3A_167 = tpu.memref_slice %arg2[%mul3A_143, %add3A_65] : memref<320000x128xf32, #tpu.memory_space<hbm>> -> memref<128x32xf32, #tpu.memory_space<hbm>>
            tpu.enqueue_dma source(%dma_start3A_167 : memref<128x32xf32, #tpu.memory_space<hbm>>) target(%dma_start3A_166 : memref<128x32xf32, #tpu.memory_space<vmem>>) target_semaphore(%arg11 : memref<!tpu.dma_semaphore, #tpu.memory_space<semaphore_mem>>)
          } else {
          }
        } else {
        }
      }
      %barrier3A_83 = arith.constant 0 : index
      tpu.barrier barrier_id(%barrier3A_83)
      "tpu.region"() ({
        %run_scoped3A = tpu.sem_alloc : memref<!tpu.dma_semaphore, #tpu.memory_space<semaphore_mem>>
        %dma_start3A = tpu.memref_slice %arg5[%mul3A_1, %add3A_65] : memref<32768x128xf32, #tpu.memory_space<hbm>> -> memref<2048x32xf32, #tpu.memory_space<hbm>>
        %dma_start3A_84 = arith.constant 0 : i32
        %dma_start3A_85 = tpu.memref_slice %arg10[%mul3A_1, %dma_start3A_84] : memref<32768x32xf32, #tpu.memory_space<vmem_shared>> -> memref<2048x32xf32, #tpu.memory_space<vmem_shared>>
        tpu.enqueue_dma source(%dma_start3A_85 : memref<2048x32xf32, #tpu.memory_space<vmem_shared>>) target(%dma_start3A : memref<2048x32xf32, #tpu.memory_space<hbm>>) target_semaphore(%run_scoped3A : memref<!tpu.dma_semaphore, #tpu.memory_space<semaphore_mem>>)
        %dma_wait3A = tpu.memref_slice %arg5[%mul3A_1, %add3A_65] : memref<32768x128xf32, #tpu.memory_space<hbm>> -> memref<2048x32xf32, #tpu.memory_space<hbm>>
        %dma_wait3A_86 = arith.constant 0 : i32
        %dma_wait3A_87 = tpu.memref_slice %arg10[%mul3A_1, %dma_wait3A_86] : memref<32768x32xf32, #tpu.memory_space<vmem_shared>> -> memref<2048x32xf32, #tpu.memory_space<vmem_shared>>
        tpu.wait_dma2 semaphore(%run_scoped3A : memref<!tpu.dma_semaphore, #tpu.memory_space<semaphore_mem>>) src(%dma_wait3A_87 : memref<2048x32xf32, #tpu.memory_space<vmem_shared>>) dst(%dma_wait3A : memref<2048x32xf32, #tpu.memory_space<hbm>>)
        tpu.yield
      }) : () -> ()
    }
    %scan3A_56 = arith.constant 2 : i32
    %convert_element_type3A_57 = arith.extui %eq3A_0 : i1 to i32
    %cond3A_58 = arith.constant 0 : i32
    %cond3A_59 = arith.cmpi ne, %convert_element_type3A_57, %cond3A_58 : i32
    scf.if %cond3A_59 {
      "tpu.region"() ({
        %run_scoped3A = tpu.sem_alloc : memref<!tpu.dma_semaphore, #tpu.memory_space<semaphore_mem>>
        %dma_start3A = arith.constant 0 : i32
        %dma_start3A_60 = tpu.memref_slice %arg6[%arg1, %dma_start3A] : memref<16x32768xf32, #tpu.memory_space<hbm>> -> memref<1x32768xf32, #tpu.memory_space<hbm>>
        %dma_start3A_61 = tpu.memref_squeeze %dma_start3A_60 : memref<1x32768xf32, #tpu.memory_space<hbm>> -> memref<32768xf32, #tpu.memory_space<hbm>>
        %dma_start3A_62 = arith.constant 0 : i32
        %dma_start3A_63 = tpu.memref_slice %arg6[%arg1, %dma_start3A_62] : memref<16x32768xf32, #tpu.memory_space<hbm>> -> memref<1x32768xf32, #tpu.memory_space<hbm>>
        %dma_start3A_64 = tpu.memref_squeeze %dma_start3A_63 : memref<1x32768xf32, #tpu.memory_space<hbm>> -> memref<32768xf32, #tpu.memory_space<hbm>>
        tpu.enqueue_dma source(%arg8 : memref<32768xf32, #tpu.memory_space<vmem>>) target(%dma_start3A_64 : memref<32768xf32, #tpu.memory_space<hbm>>) target_semaphore(%run_scoped3A : memref<!tpu.dma_semaphore, #tpu.memory_space<semaphore_mem>>)
        %dma_wait3A = arith.constant 0 : i32
        %dma_wait3A_65 = tpu.memref_slice %arg6[%arg1, %dma_wait3A] : memref<16x32768xf32, #tpu.memory_space<hbm>> -> memref<1x32768xf32, #tpu.memory_space<hbm>>
        %dma_wait3A_66 = tpu.memref_squeeze %dma_wait3A_65 : memref<1x32768xf32, #tpu.memory_space<hbm>> -> memref<32768xf32, #tpu.memory_space<hbm>>
        %dma_wait3A_67 = arith.constant 0 : i32
        %dma_wait3A_68 = tpu.memref_slice %arg6[%arg1, %dma_wait3A_67] : memref<16x32768xf32, #tpu.memory_space<hbm>> -> memref<1x32768xf32, #tpu.memory_space<hbm>>
        %dma_wait3A_69 = tpu.memref_squeeze %dma_wait3A_68 : memref<1x32768xf32, #tpu.memory_space<hbm>> -> memref<32768xf32, #tpu.memory_space<hbm>>
        tpu.wait_dma2 semaphore(%run_scoped3A : memref<!tpu.dma_semaphore, #tpu.memory_space<semaphore_mem>>) src(%arg8 : memref<32768xf32, #tpu.memory_space<vmem>>) dst(%dma_wait3A_69 : memref<32768xf32, #tpu.memory_space<hbm>>)
        tpu.yield
      }) : () -> ()
    } else {
    }
    return
  }
}

module attributes {stable_mosaic.version = 14 : i64} {
  func.func @_pidx_body(%arg0: memref<3x320000xf32, #tpu.memory_space<vmem>>, %arg1: memref<2500x128xi32, #tpu.memory_space<vmem>>) attributes {dimension_semantics = [], scalar_prefetch = 0 : i64, scratch_operands = 0 : i64, tpu.core_type = #tpu.core_type<tc>} {
    %get3A = arith.constant 0 : index
    %get3A_0 = arith.constant 0 : index
    %get3A_1 = vector.load %arg0[%get3A, %get3A_0] : memref<3x320000xf32, #tpu.memory_space<vmem>>, vector<1x320000xf32>
    %get3A_2 = vector.shape_cast %get3A_1 : vector<1x320000xf32> to vector<320000xf32>
    %get3A_3 = arith.constant 1 : index
    %get3A_4 = arith.constant 0 : index
    %get3A_5 = vector.load %arg0[%get3A_3, %get3A_4] : memref<3x320000xf32, #tpu.memory_space<vmem>>, vector<1x320000xf32>
    %get3A_6 = vector.shape_cast %get3A_5 : vector<1x320000xf32> to vector<320000xf32>
    %get3A_7 = arith.constant 2 : index
    %get3A_8 = arith.constant 0 : index
    %get3A_9 = vector.load %arg0[%get3A_7, %get3A_8] : memref<3x320000xf32, #tpu.memory_space<vmem>>, vector<1x320000xf32>
    %get3A_10 = vector.shape_cast %get3A_9 : vector<1x320000xf32> to vector<320000xf32>
    %add3A = arith.constant 1.000000e+00 : f32
    %add3A_11 = vector.broadcast %add3A : f32 to vector<320000xf32>
    %add3A_12 = arith.addf %get3A_2, %add3A_11 : vector<320000xf32>
    %mul3A = arith.constant 1.600000e+01 : f32
    %mul3A_13 = vector.broadcast %mul3A : f32 to vector<320000xf32>
    %mul3A_14 = arith.mulf %add3A_12, %mul3A_13 : vector<320000xf32>
    %convert_element_type3A = arith.fptosi %mul3A_14 : vector<320000xf32> to vector<320000xi32>
    %add3A_15 = arith.constant 1.000000e+00 : f32
    %add3A_16 = vector.broadcast %add3A_15 : f32 to vector<320000xf32>
    %add3A_17 = arith.addf %get3A_6, %add3A_16 : vector<320000xf32>
    %mul3A_18 = arith.constant 1.600000e+01 : f32
    %mul3A_19 = vector.broadcast %mul3A_18 : f32 to vector<320000xf32>
    %mul3A_20 = arith.mulf %add3A_17, %mul3A_19 : vector<320000xf32>
    %convert_element_type3A_21 = arith.fptosi %mul3A_20 : vector<320000xf32> to vector<320000xi32>
    %add3A_22 = arith.constant 1.000000e+00 : f32
    %add3A_23 = vector.broadcast %add3A_22 : f32 to vector<320000xf32>
    %add3A_24 = arith.addf %get3A_10, %add3A_23 : vector<320000xf32>
    %mul3A_25 = arith.constant 1.600000e+01 : f32
    %mul3A_26 = vector.broadcast %mul3A_25 : f32 to vector<320000xf32>
    %mul3A_27 = arith.mulf %add3A_24, %mul3A_26 : vector<320000xf32>
    %convert_element_type3A_28 = arith.fptosi %mul3A_27 : vector<320000xf32> to vector<320000xi32>
    %mul3A_29 = arith.constant 1024 : i32
    %mul3A_30 = vector.broadcast %mul3A_29 : i32 to vector<320000xi32>
    %mul3A_31 = arith.muli %convert_element_type3A, %mul3A_30 : vector<320000xi32>
    %mul3A_32 = arith.constant 32 : i32
    %mul3A_33 = vector.broadcast %mul3A_32 : i32 to vector<320000xi32>
    %mul3A_34 = arith.muli %convert_element_type3A_21, %mul3A_33 : vector<320000xi32>
    %add3A_35 = arith.addi %mul3A_31, %mul3A_34 : vector<320000xi32>
    %add3A_36 = arith.addi %add3A_35, %convert_element_type3A_28 : vector<320000xi32>
    %reshape3A = vector.shape_cast %add3A_36 : vector<320000xi32> to vector<2500x128xi32>
    %swap3A = arith.constant 0 : index
    %swap3A_37 = arith.constant 0 : index
    %swap3A_38 = vector.load %arg1[%swap3A, %swap3A_37] : memref<2500x128xi32, #tpu.memory_space<vmem>>, vector<2500x128xi32>
    tpu.vector_store %arg1[%swap3A, %swap3A_37], %reshape3A {strides = array<i32>} : memref<2500x128xi32, #tpu.memory_space<vmem>>, vector<2500x128xi32>,
    return
  }
}

module attributes {stable_mosaic.version = 14 : i64} {
  func.func @_div_body(%arg0: i32, %arg1: memref<8192x128xf32, #tpu.memory_space<vmem>>, %arg2: memref<16x8192xf32, #tpu.memory_space<vmem>>, %arg3: memref<8192x128xf32, #tpu.memory_space<vmem>>) attributes {dimension_semantics = [#tpu.dimension_semantics<arbitrary>], iteration_bounds = array<i64: 4>, scalar_prefetch = 0 : i64, scratch_operands = 0 : i64, tpu.core_type = #tpu.core_type<tc>, window_params = [{transform_indices = @transform_0, window_bounds = array<i64: 8192, 128>}, {transform_indices = @transform_1, window_bounds = array<i64: 16, 8192>}, {transform_indices = @transform_2, window_bounds = array<i64: 8192, 128>}]} {
    %get3A = arith.constant 0 : index
    %get3A_0 = arith.constant 0 : index
    %get3A_1 = vector.load %arg2[%get3A, %get3A_0] : memref<16x8192xf32, #tpu.memory_space<vmem>>, vector<16x8192xf32>
    %reduce_sum3A = arith.constant dense<0.000000e+00> : vector<8192xf32>
    %reduce_sum3A_2 = vector.multi_reduction <add>, %get3A_1, %reduce_sum3A [0] : vector<16x8192xf32> to vector<8192xf32>
    %max3A = arith.constant 1.000000e+00 : f32
    %max3A_3 = vector.broadcast %max3A : f32 to vector<8192xf32>
    %max3A_4 = arith.maximumf %reduce_sum3A_2, %max3A_3 : vector<8192xf32>
    %div3A = arith.constant 1.000000e+00 : f32
    %div3A_5 = vector.broadcast %div3A : f32 to vector<8192xf32>
    %div3A_6 = arith.divf %div3A_5, %max3A_4 : vector<8192xf32>
    %get3A_7 = arith.constant 0 : index
    %get3A_8 = arith.constant 0 : index
    %get3A_9 = vector.load %arg1[%get3A_7, %get3A_8] : memref<8192x128xf32, #tpu.memory_space<vmem>>, vector<8192x128xf32>
    %broadcast_in_dim3A = vector.shape_cast %div3A_6 : vector<8192xf32> to vector<8192x1xf32>
    %mul3A = vector.broadcast %broadcast_in_dim3A : vector<8192x1xf32> to vector<8192x128xf32>
    %mul3A_10 = arith.mulf %get3A_9, %mul3A : vector<8192x128xf32>
    %swap3A = arith.constant 0 : index
    %swap3A_11 = arith.constant 0 : index
    %swap3A_12 = vector.load %arg3[%swap3A, %swap3A_11] : memref<8192x128xf32, #tpu.memory_space<vmem>>, vector<8192x128xf32>
    tpu.vector_store %arg3[%swap3A, %swap3A_11], %mul3A_10 {strides = array<i32>} : memref<8192x128xf32, #tpu.memory_space<vmem>>, vector<8192x128xf32>,
    return
  }
  func.func @transform_0(%arg0: i32) -> (i32, i32) {
    %c0_i32 = arith.constant 0 : i32
    %c0_i32_0 = arith.constant 0 : i32
    return %arg0, %c0_i32 : i32, i32
  }
  func.func @transform_1(%arg0: i32) -> (i32, i32) {
    %c0_i32 = arith.constant 0 : i32
    %c0_i32_0 = arith.constant 0 : i32
    return %c0_i32, %arg0 : i32, i32
  }
  func.func @transform_2(%arg0: i32) -> (i32, i32) {
    %c0_i32 = arith.constant 0 : i32
    %c0_i32_0 = arith.constant 0 : i32
    return %arg0, %c0_i32 : i32, i32
  }
}

</mosaic_0001>

<sc_bundles>
// kernel: kernel.5.cloned.1.call-start
scs
__scs_entry_jumppad:
0x0: {  	(pc) =	sbr.rel $0x88, $3  }
0x1: {  	(tag) =	ssettag $0x0;
	lr =	simm.s32 $0x1  }
0x2: {  	[smem:$0x3F9F] =	sst lr;
	_ =	strace $0xD0000000  }
0x3: {  	_ = 	snop  }
0x4: {  	_ = 	snop  }
0x5: {  	_ = 	snop  }
0x6: {  	_ = 	snop  }
0x7: {  	_ = 	snop  }
__scs_overlays_trampoline_lowered:
0x8: {  	[smem:$0x3FAE] =	sst s0  }
0x9: {  	[smem:$0x3FAF] =	sst s1  }
0xa: {  	[smem:$0x3FB0] =	sst s2  }
0xb: {  	[smem:$0x3FB1] =	sst s3  }
0xc: {  	[smem:$0x3FB2] =	sst s4  }
0xd: {  	[smem:$0x3FB3] =	sst s5  }
0xe: {  	[smem:$0x3FB4] =	sst s6  }
0xf: {  	[smem:$0x3FB5] =	sst s7  }
0x10: {  	[smem:$0x3FB6] =	sst s8  }
0x11: {  	[smem:$0x3FB7] =	sst s9;
	s0 =	simm.s32 @!p0 $0x0  }
0x12: {  	s1 =	sld [smem:$0x3F9D];
	s0 =	simm.s32 @p0 $0x1  }
0x13: {  	[smem:$0x3FB8] =	sst s0;
	s0 =	simm.s32 @!p1 $0x0  }
0x14: {  	s2 =	sld [smem:$0x3F9C];
	s0 =	simm.s32 @p1 $0x1  }
0x15: {  	[smem:$0x3FB9] =	sst s0;
	s0 =	simm.s32 @!p2 $0x0  }
0x16: {  	s3 =	sld [smem:$0x3FDB];
	s0 =	simm.s32 @p2 $0x1  }
0x17: {  	s4 =	simm.s32 $0x1BF5;
	[smem:$0x3FBB] =	sst s0  }
0x18: {  	s0 =	sld [smem:$0x3F9E];
	_ =	swait.ge [sflag:s4], $0x0  }
0x19: {  	s7 =	sld [smem:$0x3F9F]  }
0x1a: {  	s8 =	sadd.s32 $0xFFFFE003, lr  }
0x1b: {  	s9 =	sadd.s32 $0xFFFFFEF7, lr;
	s5 =	simm.s32 $0xFFFFFFFF;
	p2 =	slt.u32 s8, $0xFFFFF086  }
0x1c: {  	p1 =	slt.u32 s9, $0xF7A;
	s5 =	simm.s32 @!p2 $0x0  }
0x1d: {  	s5 =	simm.s32 @p1 $0x1;
	p0 =	seq.s32 s7, s2  }
0x1e: {  	s7 =	smul.u32 @!p0 $0xF7A, s2;
	p2 =	seq.s32 @!p0 s5, $0x0  }
0x1f: {  	s9 =	smul.u32 $0xF7A, s1;
	s8 =	simm.s32 @!p0 $0x1BF5;
	p2 =	por !p2, p0  }
0x20: {  	[sflag:s8] =	ssyncset.s32 @!p0 $0xFFFFF086;
	s6 =	sadd.s32 @!p0 s3, s7;
	s7 =	simm.s32 @!p0 $0x108  }
0x21: {  	s3 =	sadd.s32 s3, s9;
	s6 =	sadd.s32 @!p0 $0x88, s6;
	s7 =	simm.s32 @p2 $0x1082  }
0x22: {  	[simem:s7], [sflag:s8] =	dma.local @!p0 [hbm:s6], $0xF7A  }
0x23: {  	s9 =	sor.u32 $0xD0000000, s2;
	s6 =	simm.s32 $0x108;
	_ =	swait.ge @!p0 [sflag:s8], $0x0  }
0x24: {  	s3 =	sadd.s32 $0x88, s3;
	s6 =	simm.s32 @!p1 $0x1082;
	[sflag:s4] =	ssyncset.s32 $0xFFFFF086  }
0x25: {  	[simem:s6], [sflag:s4] =	dma.local [hbm:s3], $0xF7A  }
0x26: {  	[smem:$0x3F9F] =	sst s1;
	(tag) =	ssettag s2;
	_ =	strace s9  }
0x27: {  	s1 =	sld [smem:$0x3FAF]  }
0x28: {  	s2 =	sld [smem:$0x3FB0]  }
0x29: {  	s4 =	sld [smem:$0x3FB2]  }
0x2a: {  	p0 =	seq.s32 s5, $0x0;
	s5 =	sld [smem:$0x3FB3]  }
0x2b: {  	s6 =	sld [smem:$0x3FB4]  }
0x2c: {  	s7 =	sld [smem:$0x3FB5]  }
0x2d: {  	s3 =	simm.s32 $0x108;
	s8 =	sld [smem:$0x3FB6]  }
0x2e: {  	s3 =	simm.s32 @!p0 $0x1082;
	s9 =	sld [smem:$0x3FB7]  }
0x2f: {  	lr =	sadd.s32 s0, s3;
	s0 =	sld [smem:$0x3FAE]  }
0x30: {  	s3 =	sld [smem:$0x3FB1]  }
0x31: {  	[smem:$0x3FBA] =	sst s10  }
0x32: {  	s10 =	sld [smem:$0x3FB8];
	_ =	sdelay $0x3  }
0x33: {  	p0 =	seq.s32 s10, $0x1;
	s10 =	sld [smem:$0x3FBA];
	_ =	sdelay $0x3  }
0x34: {  	[smem:$0x3FBA] =	sst s10  }
0x35: {  	s10 =	sld [smem:$0x3FB9];
	_ =	sdelay $0x3  }
0x36: {  	p1 =	seq.s32 s10, $0x1;
	s10 =	sld [smem:$0x3FBA];
	_ =	sdelay $0x3  }
0x37: {  	[smem:$0x3FBA] =	sst s10  }
0x38: {  	s10 =	sld [smem:$0x3FBB]  }
0x39: {  	_ = 	snop;
	(pc) =	sbr.ind lr, $3  }
0x3a: {  	_ = 	snop  }
0x3b: {  	_ = 	snop  }
0x3c: {  	p2 =	seq.s32 s10, $0x1;
	s10 =	sld [smem:$0x3FBA]  }
0x3d: {  	_ =	shalt  }
0x3e: {  	_ =	shalt  }
0x3f: {  	_ =	shalt  }
0x40: {  	_ =	shalt  }
0x41: {  	_ =	shalt  }
0x42: {  	_ =	shalt  }
0x43: {  	_ =	shalt  }
0x44: {  	_ =	shalt  }
0x45: {  	_ =	shalt  }
0x46: {  	_ =	shalt  }
0x47: {  	_ =	shalt  }
0x48: {  	_ =	shalt  }
0x49: {  	_ =	shalt  }
0x4a: {  	_ =	shalt  }
0x4b: {  	_ =	shalt  }
0x4c: {  	_ =	shalt  }
0x4d: {  	_ =	shalt  }
0x4e: {  	_ =	shalt  }
0x4f: {  	_ =	shalt  }
0x50: {  	_ =	shalt  }
0x51: {  	_ =	shalt  }
0x52: {  	_ =	shalt  }
0x53: {  	_ =	shalt  }
0x54: {  	_ =	shalt  }
0x55: {  	_ =	shalt  }
0x56: {  	_ =	shalt  }
0x57: {  	_ =	shalt  }
0x58: {  	_ =	shalt  }
0x59: {  	_ =	shalt  }
0x5a: {  	_ =	shalt  }
0x5b: {  	_ =	shalt  }
0x5c: {  	_ =	shalt  }
0x5d: {  	_ =	shalt  }
0x5e: {  	_ =	shalt  }
0x5f: {  	_ =	shalt  }
0x60: {  	_ =	shalt  }
0x61: {  	_ =	shalt  }
0x62: {  	_ =	shalt  }
0x63: {  	_ =	shalt  }
0x64: {  	_ =	shalt  }
0x65: {  	_ =	shalt  }
0x66: {  	_ =	shalt  }
0x67: {  	_ =	shalt  }
0x68: {  	_ =	shalt  }
0x69: {  	_ =	shalt  }
0x6a: {  	_ =	shalt  }
0x6b: {  	_ =	shalt  }
0x6c: {  	_ =	shalt  }
0x6d: {  	_ =	shalt  }
0x6e: {  	_ =	shalt  }
0x6f: {  	_ =	shalt  }
0x70: {  	_ =	shalt  }
0x71: {  	_ =	shalt  }
0x72: {  	_ =	shalt  }
0x73: {  	_ =	shalt  }
0x74: {  	_ =	shalt  }
0x75: {  	_ =	shalt  }
0x76: {  	_ =	shalt  }
0x77: {  	_ =	shalt  }
0x78: {  	_ =	shalt  }
0x79: {  	_ =	shalt  }
0x7a: {  	_ =	shalt  }
0x7b: {  	_ =	shalt  }
0x7c: {  	_ =	shalt  }
0x7d: {  	_ =	shalt  }
0x7e: {  	_ =	shalt  }
0x7f: {  	_ =	shalt  }
0x80: {  	_ =	shalt  }
0x81: {  	_ =	shalt  }
0x82: {  	_ =	shalt  }
0x83: {  	_ =	shalt  }
0x84: {  	_ =	shalt  }
0x85: {  	_ =	shalt  }
0x86: {  	_ =	shalt  }
0x87: {  	_ =	shalt  }
.Lfunc_end0:
.L_simem_size_0:
called_computation_lowered:
.L_overlay_start_0:
0x88: {  	s2 =	sld [smem:$0x3FD9]  }
0x89: {  	s3 =	sld [smem:$0x3FFE];
	_ =	sdelay $0x1  }
0x8a: {  	s1 =	srdreg.scid  }
0x8b: {  	s0 =	sand.u32 $0x1, s1  }
0x8c: {  	s17 =	sshll.u32 s0, $0xA;
	s2 =	sadd.s32 s3, s2  }
0x8d: {  	s2 =	sadd.s32 s2, s17  }
0x8e: {  	[smem:$0x3FC6] =	sst s2  }
0x8f: {  	_ = 	snop  }
0x90: {  	s2 =	sld [smem:$0x3FC9]  }
0x91: {  	s18 =	sld [smem:$0x3FD0];
	(tm) =	ssettm $0x1  }
0x92: {  	s4 =	sld [smem:$0x3FFB];
	_ =	sdelay $0x3  }
0x93: {  	_ =	strace s4  }
0x94: {  	s4 =	sld [smem:$0x3FFC];
	_ =	sdelay $0x3  }
0x95: {  	_ =	strace s4  }
0x96: {  	s4 =	sld [smem:$0x3FFD];
	_ =	sdelay $0x3  }
0x97: {  	_ =	strace s4  }
0x98: {  	_ =	strace $0x8FFFFFFF  }
0x99: {  	s19 =	sld [smem:$0x3FDB];
	_ =	sdelay $0x1  }
0x9a: {  	s5 =	simm.s32 $_scs_section_size  }
0x9b: {  	s6 =	simm.s32 $_size__tile_overlayer_lowered;
	s7 =	simm.s32 $_tile_overlayer_lowered  }
0x9c: {  	s22 =	simm.s32 $0x1BFF;
	s21 =	sshll.u32 s7, $0x1;
	s4 =	sadd.s32 s5, s19  }
0x9d: {  	s8 =	simm.s32 $0x0;
	s20 =	sshll.u32 s6, $0x1;
	s6 =	sadd.s32 s21, s4  }
0x9e: {  	[timem:s8], [sflag:s22] =	dma.local [hbm:s6], s20  }
0x9f: {  	_ =	swait.ge [sflag:s22], s20  }
0xa0: {  	s5 =	ssub.s32 $0x0, s20;
	[sflag:s22] =	ssyncset.done $0x0  }
0xa1: {  	[sflag:s22] =	ssyncadd.s32 s5;
	_ =	sdelay $0x1  }
0xa2: {  	s23 =	simm.s32 $0x1B8B  }
0xa3: {  	_ =	swait.ge [sflag:s23], $0x1  }
0xa4: {  	[sflag:s23] =	ssyncset.done $0x0  }
0xa5: {  	s25 =	simm.s32 $0x1B8E;
	s24 =	sld [smem:$0x3FFE];
	[sflag:s23] =	ssyncadd.s32 $0xFFFFFFFF  }
0xa6: {  	s26 =	simm.s32 $execute0_lowered;
	[smem:$0x3FD2] =	sst s25  }
0xa7: {  	s6 =	sshll.u32 s26, $0x1;
	_ =	strace $0x80000046;
	[dreg:$0x1] =	wrdreg $0xFFFFFFFF  }
0xa8: {  	s28 =	simm.s32 $_size_execute0_lowered;
	s4 =	sadd.s32 s4, s6;
	[dreg:$0x0] =	wrdreg $0x0  }
0xa9: {  	s6 =	sshll.u32 s28, $0x1;
	[dreg:$0x2] =	wrdreg s4  }
0xaa: {  	[dreg:$0x3] =	wrdreg s6  }
0xab: {  	[dreg:$0x4] =	wrdreg $0xC0  }
0xac: {  	_ =	task [dreg:s8], $0x5FFFF  }
0xad: {  	[dreg:$0x1] =	wrdreg $0xFFFFFFFF  }
0xae: {  	[dreg:$0x0] =	wrdreg $0x60  }
0xaf: {  	[dreg:$0x2] =	wrdreg s2  }
0xb0: {  	[dreg:$0x3] =	wrdreg s24  }
0xb1: {  	[dreg:$0x4] =	wrdreg s18  }
0xb2: {  	[dreg:$0x5] =	wrdreg $0xF3800  }
0xb3: {  	[dreg:$0x6] =	wrdreg $0x9  }
0xb4: {  	_ =	task.clear_ibuf [dreg:s8], $0x7FFFF;
	_ =	strace $0x90000046  }
0xb5: {  	s29 =	simm.s32 $0x9;
	_ =	strace $0x80000048  }
0xb6: {  	_ =	swait.ge [sflag:s29], $0x1  }
0xb7: {  	[sflag:s29] =	ssyncadd.s32 $0xFFFFFFFF  }
0xb8: {  	_ =	strace $0x90000048  }
0xb9: {  	_ =	sfence  }
0xba: {  	s30 =	sld [smem:$0x0];
	_ =	sdelay $0x2  }
0xbb: {  	s31 =	sshll.u32 s1, $0xD;
	s1 =	sshrl.u32 s1, $0x2  }
0xbc: {  	s3 =	sand.u32 $0x4000, s31;
	s1 =	sadd.s32 s1, s30  }
0xbd: {  	s0 =	sor.u32 s3, s0;
	s1 =	sshll.u32 s1, $0x11  }
0xbe: {  	s0 =	sor.u32 s1, s0  }
0xbf: {  	s0 =	sadd.s32 $0x8F2B, s0  }
0xc0: {  	[sflag:s0] =	ssyncadd.remote.s32 $0x1  }
0xc1: {  	_ =	sfence.sel $0xFFFF  }
0xc2: {  	[dreg:$0x0] =	wrdreg $0xFFFFFFFF;
	(pc) =	sbr.abs _section_cstart, $3  }
0xc3: {  	[dreg:$0x1] =	wrdreg $0xFFFFFFFF  }
0xc4: {  	_ =	task.clear_ibuf [dreg:s8], $0x2FFFF;
	_ =	strace $0x9FFFFFFF  }
0xc5: {  	(tm) =	ssettm $0x7FFFFFFF  }
tec
execute0_lowered:
.L_overlay_start_1:
0x0: {  	(tag) =	ssettag $0x1  }
0x1: {  	s1 =	rddreg [dreg:$0x0]  }
0x2: {  	s0 =	rddreg [dreg:$0x1]  }
0x3: {  	s4 =	rddreg [dreg:$0x3];
	s5 =	simm.s32 $0x0;
	s15 =	stileid.u32  }
0x4: {  	s20 =	srdreg.scid;
	s31 =	simm.s32 $0x4;
	[smem:$0x7FF] =	sst s5  }
0x5: {  	s2 =	smul.u32 $0x9C4, s15;
	s3 =	sadd.s32 $0xE00, s0;
	s6 =	sadd.s32 $0xAC00, s0  }
0x6: {  	s9 =	sshll.u32 s15, $0xC;
	s16 =	sshll.u32 s15, $0x6;
	_ =	strace $0x80000047  }
0x7: {  	[dreg:$0x6] =	wrdreg s6;
	s6 =	sand.u32 $0x1, s20;
	s0 =	sadd.s32 s9, s0  }
0x8: {  	s18 =	sor.u32 $0x1C04, s16;
	s7 =	sadd.s32 $0x9C4, s2;
	s8 =	sshrl.u32 s2, $0x4  }
0x9: {  	s10 =	ssub.s32 $0x2, s6;
	s2 =	sand.u32 $0xFFF0, s2;
	p0 =	sne.s32 s6, $0x0  }
0xa: {  	s0 =	sadd.s32 $0xCC00, s0;
	s7 =	sshrl.u32 s7, $0x4;
	s21 =	sshrl.u32 s10, $0x1  }
0xb: {  	s29 =	sadd.s32 s3, s2;
	s2 =	sadd.s32 $0x1, s8;
	s19 =	sadd.s32 $0x3, s8  }
0xc: {  	s20 =	sadd.s32 $0x4, s8;
	s26 =	sadd.s32 $0x5, s8;
	s28 =	sadd.s32 $0x6, s8  }
0xd: {  	[dreg:$0xf] =	wrdreg s0;
	s7 =	ssub.s32 s7, s8;
	s9 =	ssub.s32 s10, s21  }
0xe: {  	s10 =	sadd.s32 $0x2, s8;
	s22 =	sshll.u32 s2, $0x4;
	s24 =	sshll.u32 s19, $0x4  }
0xf: {  	s25 =	sshll.u32 s20, $0x4;
	s13 =	sshll.u32 s26, $0x4;
	s14 =	sshll.u32 s28, $0x4  }
0x10: {  	s21 =	sshll.u32 s8, $0xE;
	s26 =	sshll.u32 s26, $0xE;
	s28 =	sshll.u32 s28, $0xE  }
0x11: {  	s16 =	smov.u32 s29;
	s8 =	simm.s32 $0x0;
	s11 =	sadd.s32 $0x2, s7  }
0x12: {  	s12 =	sshll.u32 s10, $0x4;
	s30 =	sadd.s32 s3, s25;
	[dreg:$0x5] =	wrdreg s11  }
0x13: {  	s17 =	smax.u32 s9, $0x1;
	s25 =	sshll.u32 s20, $0xE;
	[dreg:$0xa] =	wrdreg s30  }
0x14: {  	p1 =	slt.s32 s7, $0xFFFFFFFF;
	s11 =	sadd.s32 s3, s22;
	[dreg:$0x10] =	wrdreg s17  }
0x15: {  	s23 =	sadd.s32 s3, s12;
	s12 =	sadd.s32 s3, s13;
	[dreg:$0x7] =	wrdreg s11  }
0x16: {  	s13 =	sshll.u32 s15, $0x12;
	s22 =	sshll.u32 s2, $0xE;
	[dreg:$0x8] =	wrdreg s23  }
0x17: {  	s30 =	sadd.s32 $0x50, s29;
	s2 =	simm.s32 $0x80;
	[dreg:$0xb] =	wrdreg s12  }
0x18: {  	s11 =	sadd.s32 s3, s24;
	s3 =	sadd.s32 s3, s14;
	[dreg:$0xd] =	wrdreg s13  }
.Ltmp0:
0x19: {  	s14 =	sshll.u32 s6, $0x6;
	[dreg:$0x12] =	wrdreg s30;
	(pc) =	sbr.rel .LBB2_1-.Ltmp0, $4  }
0x1a: {  	s23 =	sshll.u32 s10, $0xE;
	[dreg:$0xc] =	wrdreg s3;
	s3 =	sshrl.u32 s13, $0x2  }
0x1b: {  	[dreg:$0x9] =	wrdreg s11;
	s20 =	sor.u32 s14, s21;
	s3 =	sadd.s32 s3, s4  }
0x1c: {  	s24 =	sshll.u32 s19, $0xE;
	s0 =	sadd.s32 $0x14000, s20;
	[dreg:$0xe] =	wrdreg s3  }
0x1d: {  	v0 =	vimm.f32 $0.0e+00;
	s17 =	smov.u32 s14;
	[dreg:$0x11] =	wrdreg s0;
	s0 =	simm.s32 $0x20  }
.LBB2_10:
0x1e: {  	s3 =	simm.s32 @!p0 $0x0;
	s6 =	simm.s32 @!p0 $0x380;
	s8 =	rddreg [dreg:$0xf]  }
0x1f: {  	[hbm4b:s8+s3] =	stream.linear.scatter @!p0 [tilespmem:s6], [sflag:$0x4], $0x8000, $0x38;
	[tilespmem:$0x1F380] =	vst v63  }
0x20: {  	s3 =	simm.s32 @!p0 $0x4  }
0x21: {  	_ =	swait.ge @!p0 [sflag:s3], $0x8000  }
0x22: {  	s29 =	rddreg [dreg:$0x13]  }
0x23: {  	s30 =	rddreg [dreg:$0x10];
	s8 =	sadd.s32 $0x1, s29  }
0x24: {  	p2 =	sne.s32 s8, s30  }
.Ltmp1:
0x25: {  	_ = 	snop;
	(pc) =	sbr.rel @!p2 .LBB2_11-.Ltmp1, $3  }
0x26: {  	_ =	sdelay $0x1  }
0x27: {  	[sflag:s3] =	ssyncset.done @!p0 $0x0  }
0x28: {  	[sflag:s3] =	ssyncadd.s32 @!p0 $0xFFFF8000  }
.LBB2_1:
.Ltmp2:
0x29: {  	(pc) =	sbr.rel @p0 .LBB2_5-.Ltmp2, $2  }
0x2a: {  	_ =	sdelay $0x2  }
0x2b: {  	[dreg:$0x13] =	wrdreg s8  }
0x2c: {  	s6 =	simm.s32 $0x100;
	s3 =	simm.s32 $0x0  }
.LBB2_3:
0x2d: {  	p2 =	sne.s32 s6, $0x1FF00;
	[tilespmem:s3+$0x3B0] =	vst v0;
	s8 =	smov.u32 s6;
	s6 =	sadd.s32 $0x100, s6  }
.Ltmp3:
0x2e: {  	[tilespmem:s3+$0x3A0] =	vst v0;
	(pc) =	sbr.rel @p2 .LBB2_3-.Ltmp3, $3  }
0x2f: {  	[tilespmem:s3+$0x380] =	vst v0  }
0x30: {  	[tilespmem:s3+$0x390] =	vst v0;
	_ =	sdelay $0x1  }
0x31: {  	s3 =	sshra.s32 s8, $0x2  }
0x32: {  	[tilespmem:s3+$0x3B0] =	vst v0  }
0x33: {  	[tilespmem:s3+$0x3A0] =	vst v0  }
0x34: {  	[tilespmem:s3+$0x380] =	vst v0  }
0x35: {  	[tilespmem:s3+$0x390] =	vst v0  }
.LBB2_5:
.Ltmp4:
0x36: {  	(pc) =	sbr.rel .LBB2_6-.Ltmp4, $2  }
0x37: {  	_ =	sdelay $0x2  }
0x38: {  	s3 =	simm.s32 $0x0;
	p3 =	por $0x1, $0x1  }
.LBB2_9:
0x39: {  	s3 =	rddreg [dreg:$0xd]  }
0x3a: {  	[bflag:$0x0] =	sbarrier.arrive $0xFFFF;
	s3 =	sor.u32 s3, s19  }
0x3b: {  	s29 =	simm.s32 $0x1;
	s6 =	rddreg [dreg:$0x2];
	s3 =	sshrl.u32 s3, $0x3  }
.Ltmp5:
0x3c: {  	s8 =	simm.s32 $0x10;
	s3 =	sadd.s32 s6, s3;
	(pc) =	sbr.rel @!p2 .LBB2_10-.Ltmp5, $4  }
0x3d: {  	[hbm:s3@s8], [sflag:s18] =	dma.strided [spmem:s30@s31], $0x2000, s29, $0x4   }
0x3e: {  	_ =	swait.ge [sflag:s31], $0x2000  }
0x3f: {  	[sflag:s31] =	ssyncset.done $0x0  }
0x40: {  	p3 =	por $0x0, $0x0;
	s3 =	simm.s32 $0x20;
	[sflag:s31] =	ssyncadd.s32 $0xFFFFE000  }
.LBB2_6:
0x41: {  	s6 =	rddreg [dreg:$0xe]  }
0x42: {  	s13 =	rddreg [dreg:$0x6];
	s30 =	sshrl.u32 s6, $0x3  }
0x43: {  	[spmem:s30], [sflag:s18] =	dma.local [hbm:s13], $0x2000  }
0x44: {  	_ =	swait.ge [sflag:s31], $0x2000  }
0x45: {  	s19 =	sor.u32 s17, s3;
	[sflag:s31] =	ssyncset.done $0x0  }
0x46: {  	s14 =	sor.u32 s19, s21;
	[sflag:s31] =	ssyncadd.s32 $0xFFFFE000  }
0x47: {  	s6 =	sshrl.u32 s14, $0x3;
	[bflag:$0x0] =	sbarrier.arrive $0xFFFF  }
0x48: {  	[tilespmem:s5], [sflag:$0x3] =	stream.linear.gather [hbm4b:s16+s5], $0x80, $0x38;
	[tilespmem:$0x1F380] =	vst v63  }
0x49: {  	s8 =	simm.s32 $0x8380;
	s20 =	sor.u32 s19, s22;
	s6 =	sadd.s32 s1, s6  }
0x4a: {  	[tilespmem:s8], [sflag:$0x1] =	stream.strided.gather [hbm4b:s6+s0], $0x1000, s2, s0, $0x38;
	[tilespmem:$0x1F380] =	vst v63  }
0x4b: {  	s15 =	rddreg [dreg:$0x7];
	s6 =	sshrl.u32 s20, $0x3  }
0x4c: {  	[tilespmem:s2], [sflag:$0x3] =	stream.linear.gather [hbm4b:s15+s5], $0x80, $0x38;
	[tilespmem:$0x1F380] =	vst v63  }
0x4d: {  	s29 =	simm.s32 $0x9380;
	s10 =	sor.u32 s19, s23;
	s6 =	sadd.s32 s1, s6  }
0x4e: {  	[tilespmem:s29], [sflag:$0x1] =	stream.strided.gather [hbm4b:s6+s0], $0x1000, s2, s0, $0x38;
	[tilespmem:$0x1F380] =	vst v63  }
0x4f: {  	s9 =	simm.s32 $0x100;
	s8 =	rddreg [dreg:$0x8];
	s6 =	sshrl.u32 s10, $0x3  }
0x50: {  	[tilespmem:s9], [sflag:$0x3] =	stream.linear.gather [hbm4b:s8+s5], $0x80, $0x38;
	[tilespmem:$0x1F380] =	vst v63  }
0x51: {  	s11 =	simm.s32 $0xA380;
	s14 =	sor.u32 s19, s24;
	s6 =	sadd.s32 s1, s6  }
0x52: {  	[tilespmem:s11], [sflag:$0x1] =	stream.strided.gather [hbm4b:s6+s0], $0x1000, s2, s0, $0x38;
	[tilespmem:$0x1F380] =	vst v63  }
0x53: {  	s13 =	simm.s32 $0x180;
	s12 =	rddreg [dreg:$0x9];
	s6 =	sshrl.u32 s14, $0x3  }
0x54: {  	[tilespmem:s13], [sflag:$0x3] =	stream.linear.gather [hbm4b:s12+s5], $0x80, $0x38;
	[tilespmem:$0x1F380] =	vst v63  }
0x55: {  	s15 =	simm.s32 $0xB380;
	s8 =	sor.u32 s19, s25;
	s6 =	sadd.s32 s1, s6  }
0x56: {  	[tilespmem:s15], [sflag:$0x1] =	stream.strided.gather [hbm4b:s6+s0], $0x1000, s2, s0, $0x38;
	[tilespmem:$0x1F380] =	vst v63  }
0x57: {  	s20 =	rddreg [dreg:$0xa];
	s29 =	simm.s32 $0x200;
	s6 =	sshrl.u32 s8, $0x3  }
0x58: {  	[tilespmem:s29], [sflag:$0x3] =	stream.linear.gather [hbm4b:s20+s5], $0x80, $0x38;
	[tilespmem:$0x1F380] =	vst v63  }
0x59: {  	s9 =	simm.s32 $0xC380;
	s12 =	sor.u32 s19, s26;
	s6 =	sadd.s32 s1, s6  }
0x5a: {  	[tilespmem:s9], [sflag:$0x1] =	stream.strided.gather [hbm4b:s6+s0], $0x1000, s2, s0, $0x38;
	[tilespmem:$0x1F380] =	vst v63  }
0x5b: {  	s10 =	rddreg [dreg:$0xb];
	s11 =	simm.s32 $0x280;
	s6 =	sshrl.u32 s12, $0x3  }
0x5c: {  	[tilespmem:s11], [sflag:$0x3] =	stream.linear.gather [hbm4b:s10+s5], $0x80, $0x38;
	[tilespmem:$0x1F380] =	vst v63  }
0x5d: {  	s13 =	simm.s32 $0xD380;
	s6 =	sadd.s32 s1, s6  }
0x5e: {  	[tilespmem:s13], [sflag:$0x1] =	stream.strided.gather [hbm4b:s6+s0], $0x1000, s2, s0, $0x38;
	[tilespmem:$0x1F380] =	vst v63  }
.Ltmp6:
0x5f: {  	s20 =	sor.u32 s19, s28;
	(pc) =	sbr.rel @p1 .LBB2_9-.Ltmp6, $4  }
0x60: {  	s14 =	rddreg [dreg:$0xc];
	s15 =	simm.s32 $0x300;
	s6 =	sshrl.u32 s20, $0x3  }
0x61: {  	[tilespmem:s15], [sflag:$0x3] =	stream.linear.gather [hbm4b:s14+s5], $0x80, $0x38;
	[tilespmem:$0x1F380] =	vst v63  }
0x62: {  	p2 =	por p3, p3;
	s29 =	simm.s32 $0xE380;
	s6 =	sadd.s32 s1, s6  }
0x63: {  	[tilespmem:s29], [sflag:$0x1] =	stream.strided.gather [hbm4b:s6+s0], $0x1000, s2, s0, $0x38;
	[tilespmem:$0x1F380] =	vst v63  }
0x64: {  	s6 =	rddreg [dreg:$0x11]  }
0x65: {  	s29 =	simm.s32 $0x280;
	s8 =	simm.s32 $0xD380;
	s3 =	sadd.s32 s3, s6  }
0x66: {  	s9 =	simm.s32 $0x8380;
	s10 =	rddreg [dreg:$0x12];
	s3 =	sshrl.u32 s3, $0x3  }
0x67: {  	s6 =	simm.s32 $0x5;
	s20 =	sadd.s32 s3, s1;
	s3 =	simm.s32 $0x0  }
.LBB2_8:
0x68: {  	s11 =	smulhi.u32 $0x24924925, s3;
	_ =	sdelay $0x1  }
0x69: {  	s12 =	ssub.s32 s3, s11  }
0x6a: {  	s12 =	sshrl.u32 s12, $0x1  }
0x6b: {  	s11 =	sadd.s32 s11, s12  }
0x6c: {  	p3 =	sge.s32 s3, s7;
	s11 =	sshrl.u32 s11, $0x2  }
0x6d: {  	s13 =	simm.s32 @!p3 $0x3;
	s12 =	smul.u32 $0xFFFFF200, s11  }
0x6e: {  	_ =	swait.ge @!p3 [sflag:s13], $0x80  }
0x6f: {  	[sflag:s13] =	ssyncset.done @!p3 $0x0;
	s14 =	sshra.s32 @!p3 s12, $0x2  }
0x70: {  	p4 =	por !p2, p3;
	[sflag:s13] =	ssyncadd.s32 @!p3 $0xFFFFFF80;
	s14 =	sadd.s32 @!p3 s14, s29  }
0x71: {  	v1 =	vld @!p4 [tilespmem:s14+$0xFFFFFD80];
	_ =	sdelay $0x6  }
0x72: {  	v2 =	vimm.f32 @!p4 $1.000000000e+00;
	s13 =	simm.s32 @!p4 $0x380;
	s12 =	sshra.s32 @!p4 s12, $0x2  }
0x73: {  	s12 =	sadd.s32 @!p4 s12, s29;
	[tilespmem:v1+s13+$0x0] =	vst.idx.add.f32.msk @!p4 $0xffff, v2  }
0x74: {  	v1 =	vld @!p4 [tilespmem:s12+$0xFFFFFD90];
	_ =	sdelay $0x7  }
0x75: {  	[tilespmem:v1+s13+$0x0] =	vst.idx.add.f32.msk @!p4 $0xffff, v2  }
0x76: {  	v1 =	vld @!p4 [tilespmem:s12+$0xFFFFFDA0];
	_ =	sdelay $0x7  }
0x77: {  	[tilespmem:v1+s13+$0x0] =	vst.idx.add.f32.msk @!p4 $0xffff, v2  }
0x78: {  	v1 =	vld @!p4 [tilespmem:s12+$0xFFFFFDB0];
	_ =	sdelay $0x7  }
0x79: {  	[tilespmem:v1+s13+$0x0] =	vst.idx.add.f32.msk @!p4 $0xffff, v2  }
0x7a: {  	v1 =	vld @!p4 [tilespmem:s12+$0xFFFFFDC0];
	_ =	sdelay $0x7  }
0x7b: {  	[tilespmem:v1+s13+$0x0] =	vst.idx.add.f32.msk @!p4 $0xffff, v2  }
0x7c: {  	v1 =	vld @!p4 [tilespmem:s12+$0xFFFFFDD0];
	_ =	sdelay $0x7  }
0x7d: {  	[tilespmem:v1+s13+$0x0] =	vst.idx.add.f32.msk @!p4 $0xffff, v2  }
0x7e: {  	v1 =	vld @!p4 [tilespmem:s12+$0xFFFFFDE0];
	_ =	sdelay $0x7  }
0x7f: {  	[tilespmem:v1+s13+$0x0] =	vst.idx.add.f32.msk @!p4 $0xffff, v2  }
0x80: {  	v1 =	vld @!p4 [tilespmem:s12+$0xFFFFFDF0];
	_ =	sdelay $0x5  }
0x81: {  	s11 =	smul.u32 $0xFFFE4000, s11  }
0x82: {  	s12 =	smulhi.u32 $0x24924925, s6  }
0x83: {  	s11 =	sshra.s32 s11, $0x2;
	[tilespmem:v1+s13+$0x0] =	vst.idx.add.f32.msk @!p4 $0xffff, v2;
	s13 =	simm.s32 @!p3 $0x1  }
0x84: {  	s11 =	sadd.s32 s11, s9;
	s15 =	ssub.s32 s6, s12;
	_ =	swait.ge @!p3 [sflag:s13], $0x1000  }
0x85: {  	s14 =	sadd.s32 @!p3 $0xFFFFFD80, s14;
	s15 =	sshrl.u32 s15, $0x1;
	[sflag:s13] =	ssyncset.done @!p3 $0x0  }
0x86: {  	s12 =	sadd.s32 s12, s15;
	[sflag:s13] =	ssyncadd.s32 @!p3 $0xFFFFF000;
	s13 =	simm.s32 @!p3 $0x80  }
0x87: {  	[spmem:s4] =	stream.indirect.scatter.add.f32 @!p3 [tilespmem:s11], [sflag:$0x2], $0x20, s14, s13, $0xb8;
	[tilespmem:$0x1F380] =	vst v63  }
0x88: {  	s14 =	sshrl.u32 s12, $0x2  }
0x89: {  	s9 =	sadd.s32 $0x1000, s9;
	p3 =	slt.u32 s3, $0x2;
	s12 =	smul.u32 $0xFFFE4000, s14  }
0x8a: {  	s6 =	sadd.s32 $0x1, s6;
	s13 =	sadd.s32 @!p3 $0x5, s3;
	s11 =	smul.u32 $0xFFFFF200, s14  }
0x8b: {  	s14 =	simm.s32 @!p3 $0x2;
	s3 =	sadd.s32 $0x1, s3;
	p4 =	sge.s32 @!p3 s13, s7  }
0x8c: {  	_ =	swait.ge @!p3 [sflag:s14], $0x1000;
	s12 =	sshra.s32 s12, $0x2;
	p4 =	por p4, p3  }
0x8d: {  	[sflag:s14] =	ssyncset.done @!p3 $0x0;
	s15 =	rddreg [dreg:$0x5];
	s12 =	sadd.s32 s12, s8  }
0x8e: {  	s11 =	sshra.s32 @!p4 s11, $0x2;
	[sflag:s14] =	ssyncadd.s32 @!p3 $0xFFFFF000;
	p3 =	sne.s32 s15, s3  }
.Ltmp7:
0x8f: {  	s13 =	simm.s32 @!p4 $0x0;
	s11 =	sadd.s32 @!p4 s11, s29;
	(pc) =	sbr.rel @p3 .LBB2_8-.Ltmp7, $4  }
0x90: {  	[tilespmem:s11], [sflag:$0x3] =	stream.linear.gather @!p4 [hbm4b:s10+s13], $0x80, $0x38;
	[tilespmem:$0x1F380] =	vst v63  }
0x91: {  	s8 =	sadd.s32 $0x1000, s8;
	s11 =	simm.s32 @!p4 $0x20;
	s13 =	simm.s32 @!p4 $0x80  }
0x92: {  	[tilespmem:s12], [sflag:$0x1] =	stream.strided.gather @!p4 [hbm4b:s20+s11], $0x1000, s13, s11, $0x38;
	[tilespmem:$0x1F380] =	vst v63  }
0x93: {  	s29 =	sadd.s32 $0x80, s29;
	s10 =	sadd.s32 $0x10, s10;
	s20 =	sadd.s32 $0x800, s20  }
.Ltmp8:
0x94: {  	_ = 	snop;
	(pc) =	sbr.rel .LBB2_9-.Ltmp8, $1  }
0x95: {  	_ =	sdelay $0x3  }
.LBB2_11:
0x96: {  	_ =	sfence.sel $0x180000  }
0x97: {  	[bflag:$0x0] =	sbarrier.arrive $0xFFFF  }
0x98: {  	_ =	strace $0x90000047  }
0x99: {  	s0 =	stileid.u32;
	[bflag:$0x2] =	sbarrier.arrive $0xFFFF  }
0x9a: {  	p0 =	sne.s32 s0, $0x0;
	s0 =	rddreg [dreg:$0x4]  }
0x9b: {  	s0 =	sadd.s32 @!p0 $0x100000, s0  }
0x9c: {  	[sflag:s0] =	ssyncadd.tile.s32 @!p0 $0x1;
	_ =	shalt  }
.Lfunc_end2:
_tile_overlayer_lowered:
.L_overlay_start_2:
0x9d: {  	(tag) =	ssettag $0x2  }
0x9e: {  	s0 =	rddreg [dreg:$0x0];
	s2 =	stileid.u32  }
0x9f: {  	s1 =	rddreg [dreg:$0x1];
	p0 =	sne.s32 s2, $0x0  }
0xa0: {  	s3 =	rddreg [dreg:$0x2];
	[bflag:$0x3] =	sbarrier.arrive $0xFFFF;
	s2 =	simm.s32 @!p0 $0x1C04  }
0xa1: {  	[timem:s3], [sflag:s2] =	dma.local @!p0 [hbm:s0], s1  }
0xa2: {  	s0 =	simm.s32 @!p0 $0x4  }
0xa3: {  	_ =	swait.ge @!p0 [sflag:s0], s1  }
0xa4: {  	s1 =	ssub.s32 @!p0 $0x0, s1;
	[sflag:s0] =	ssyncset.done @!p0 $0x0  }
0xa5: {  	[sflag:s0] =	ssyncadd.s32 @!p0 s1  }
0xa6: {  	[bflag:$0x3] =	sbarrier.arrive $0xFFFF  }
0xa7: {  	_ =	shalt  }

</sc_bundles>
